<compile_context>
chip_gen: v7x
topology: tpu7x:2x2x1
jax: 0.10.2.dev20260603
libtpu: 0.0.44.dev20260713+nightly
codegen_flags: <defaults>
</compile_context>

<pallas_src>
import functools

import jax
import jax.numpy as jnp
from jax import lax
from jax.experimental import pallas as pl
from jax.experimental.pallas import tpu as pltpu
from jax.experimental.pallas import tpu_sc as plsc

N_NODES = 10000
N_EDGES = 320000
HIDDEN = 128
NUM_RBF = 64
CUTOFF = 5.0

NC = 2
NS = 16
NW = NC * NS
EPW = N_EDGES // NW
BL = 80
JB = EPW // BL
NPAD = 10240
ROWS_PER_TILE = NPAD // NS

@functools.lru_cache(maxsize=None)
def _build_zdst():
    mesh = plsc.VectorSubcoreMesh(core_axis_name="c", subcore_axis_name="s",
                                  num_cores=NC, num_subcores=NS)

    @functools.partial(
        pl.kernel,
        out_type=jax.ShapeDtypeStruct((NW, EPW), jnp.int32),
        mesh=mesh,
        scratch_types=[
            pltpu.VMEM((N_NODES,), jnp.int32),
            pltpu.VMEM((EPW,), jnp.int32),
            pltpu.VMEM((EPW,), jnp.int32),
        ],
        compiler_params=pltpu.CompilerParams(needs_layout_passes=False),
    )
    def zdst_kernel(z_hbm, dst_hbm, out_hbm, z_v, dst_v, out_v):
        wid = lax.axis_index("s") * NC + lax.axis_index("c")
        pltpu.sync_copy(z_hbm, z_v)
        pltpu.sync_copy(dst_hbm.at[wid], dst_v)

        def body(i, carry):
            idx = dst_v[pl.ds(i * 16, 16)]
            out_v[pl.ds(i * 16, 16)] = plsc.load_gather(z_v, [idx])
            return carry

        lax.fori_loop(0, EPW // 16, body, 0)
        pltpu.sync_copy(out_v, out_hbm.at[wid])

    return zdst_kernel


def _zdst_sc(z, dst):
    return _build_zdst()(z, dst)


_MSG_B = 2560


def _msg_body(eaT_ref, ew_ref, zd_ref, dpw_ref, dpb_ref, embT_ref, out_ref):
    wT = jnp.dot(dpw_ref[...], eaT_ref[...], preferred_element_type=jnp.float32)
    ew = ew_ref[0]
    c = jnp.where(ew < CUTOFF, 0.5 * (jnp.cos(ew * (jnp.pi / CUTOFF)) + 1.0), 0.0)
    zd = zd_ref[0]
    ohcT = jnp.where(
        lax.broadcasted_iota(jnp.int32, (128, _MSG_B), 0) == zd, c, 0.0)
    gcT = jnp.dot(embT_ref[...], ohcT, preferred_element_type=jnp.float32)
    out_ref[...] = ((wT + dpb_ref[...]) * gcT).T


def _msg_tc(eaT, ew3, zd3, dpw, dpb_col, embT, off, nb):
    return pl.pallas_call(
        _msg_body,
        grid=(nb,),
        in_specs=[
            pl.BlockSpec((NUM_RBF, _MSG_B), lambda i: (0, i + off)),
            pl.BlockSpec((1, 1, _MSG_B), lambda i: (i + off, 0, 0)),
            pl.BlockSpec((1, 1, _MSG_B), lambda i: (i + off, 0, 0)),
            pl.BlockSpec((HIDDEN, NUM_RBF), lambda i: (0, 0)),
            pl.BlockSpec((HIDDEN, 1), lambda i: (0, 0)),
            pl.BlockSpec((128, HIDDEN), lambda i: (0, 0)),
        ],
        out_specs=pl.BlockSpec((_MSG_B, HIDDEN), lambda i: (i, 0)),
        out_shape=jax.ShapeDtypeStruct((nb * _MSG_B, HIDDEN), jnp.float32),
        compiler_params=pltpu.CompilerParams(
            dimension_semantics=("arbitrary",),
        ),
    )(eaT, ew3, zd3, dpw, dpb_col, embT)


@functools.lru_cache(maxsize=None)
def _build_scatter(jb):
    epw = jb * BL
    mesh = plsc.VectorSubcoreMesh(core_axis_name="c", subcore_axis_name="s",
                                  num_cores=NC, num_subcores=NS)

    @functools.partial(
        pl.kernel,
        out_type=jax.ShapeDtypeStruct((NC * NPAD, HIDDEN), jnp.float32),
        mesh=mesh,
        scratch_types=[
            pltpu.VMEM_SHARED((NPAD, HIDDEN), jnp.float32),
            pltpu.VMEM((jb, BL), jnp.int32),
            pltpu.VMEM((BL, HIDDEN), jnp.float32),
            pltpu.VMEM((BL, HIDDEN), jnp.float32),
            pltpu.SemaphoreType.DMA,
            pltpu.SemaphoreType.DMA,
            pltpu.SemaphoreType.DMA,
            pltpu.SemaphoreType.DMA,
        ],
    )
    def scatter_kernel(msg_hbm, src_hbm, zeros_hbm, out_hbm, agg_sh,
                       idx_v, buf0, buf1, lsem0, lsem1, ssem0, ssem1):
        c = lax.axis_index("c")
        s = lax.axis_index("s")
        wid = s * NC + c
        rb = s * ROWS_PER_TILE
        ebase = wid * epw

        def load(j, buf, lsem):
            return pltpu.async_copy(msg_hbm.at[pl.ds(ebase + j * BL, BL)],
                                    buf, lsem)

        load(0, buf0, lsem0)
        load(1, buf1, lsem1)
        pltpu.sync_copy(src_hbm.at[wid], idx_v)
        pltpu.sync_copy(zeros_hbm.at[pl.ds(rb, ROWS_PER_TILE)],
                        agg_sh.at[pl.ds(rb, ROWS_PER_TILE)])
        plsc.subcore_barrier()

        def drain_load(buf, lsem):
            pltpu.make_async_copy(msg_hbm.at[pl.ds(ebase, BL)], buf, lsem).wait()

        def body(g, carry):
            j0 = g * 2
            j1 = j0 + 1
            drain_load(buf0, lsem0)
            sc0 = pltpu.async_copy(buf0, agg_sh.at[idx_v.at[j0]], ssem0,
                                   add=True)
            drain_load(buf1, lsem1)
            sc1 = pltpu.async_copy(buf1, agg_sh.at[idx_v.at[j1]], ssem1,
                                   add=True)
            sc0.wait()
            load(j0 + 2, buf0, lsem0)

            @pl.when(j1 + 2 < jb)
            def _():
                sc1.wait()
                load(j1 + 2, buf1, lsem1)

            return carry

        if jb % 2 == 1:
            lax.fori_loop(0, (jb - 1) // 2, body, 0)
            drain_load(buf0, lsem0)
            pltpu.make_async_copy(buf1, agg_sh.at[idx_v.at[jb - 2]], ssem1).wait()
            pltpu.sync_copy(buf0, agg_sh.at[idx_v.at[jb - 1]], add=True)
        else:
            lax.fori_loop(0, jb // 2 - 1, body, 0)
            drain_load(buf0, lsem0)
            pltpu.sync_copy(buf0, agg_sh.at[idx_v.at[jb - 2]], add=True)
            drain_load(buf1, lsem1)
            pltpu.sync_copy(buf1, agg_sh.at[idx_v.at[jb - 1]], add=True)
        plsc.subcore_barrier()
        pltpu.sync_copy(agg_sh.at[pl.ds(rb, ROWS_PER_TILE)],
                        out_hbm.at[pl.ds(c * NPAD + rb, ROWS_PER_TILE)])

    return scatter_kernel


def _scatter_sc(msg, src3, zeros, jb):
    return _build_scatter(jb)(msg, src3, zeros)


_OUT_B = 80


def _out_body(nf_ref, a0_ref, a1_ref, a2_ref, a3_ref, cw1_ref, cw2_ref,
              cb_ref, out_ref):
    agg = (a0_ref[...] + a1_ref[...]) + (a2_ref[...] + a3_ref[...])
    out_ref[...] = (
        jnp.dot(nf_ref[...], cw1_ref[...], preferred_element_type=jnp.float32)
        + jnp.dot(agg, cw2_ref[...], preferred_element_type=jnp.float32)
        + cb_ref[...]
    )


def _out_tc(nf, parts0, parts1, cw1, cw2, cb2):
    nblk = N_NODES // _OUT_B
    halfblk = NPAD // _OUT_B
    return pl.pallas_call(
        _out_body,
        grid=(nblk,),
        in_specs=[
            pl.BlockSpec((_OUT_B, HIDDEN), lambda i: (i, 0)),
            pl.BlockSpec((_OUT_B, HIDDEN), lambda i: (i, 0)),
            pl.BlockSpec((_OUT_B, HIDDEN), lambda i: (i + halfblk, 0)),
            pl.BlockSpec((_OUT_B, HIDDEN), lambda i: (i, 0)),
            pl.BlockSpec((_OUT_B, HIDDEN), lambda i: (i + halfblk, 0)),
            pl.BlockSpec((HIDDEN, HIDDEN), lambda i: (0, 0)),
            pl.BlockSpec((HIDDEN, HIDDEN), lambda i: (0, 0)),
            pl.BlockSpec((1, HIDDEN), lambda i: (0, 0)),
        ],
        out_specs=pl.BlockSpec((_OUT_B, HIDDEN), lambda i: (i, 0)),
        out_shape=jax.ShapeDtypeStruct((N_NODES, HIDDEN), jnp.float32),
        compiler_params=pltpu.CompilerParams(
            dimension_semantics=("arbitrary",),
        ),
    )(nf, parts0, parts0, parts1, parts1, cw1, cw2, cb2)


def kernel(z, node_feat, edge_index, edge_weight, edge_attr, emb_table,
           dp_w, dp_b, comb_w, comb_b):
    z = z.astype(jnp.int32)
    src = edge_index[0].astype(jnp.int32)
    dst = edge_index[1].astype(jnp.int32)

    zdst = _zdst_sc(z, dst.reshape(NW, EPW)).reshape(N_EDGES)

    nblk = N_EDGES // _MSG_B
    ew3 = edge_weight.reshape(nblk, 1, _MSG_B)
    zd3 = zdst.reshape(nblk, 1, _MSG_B)
    embT = jnp.zeros((128, HIDDEN), emb_table.dtype).at[:emb_table.shape[0]].set(emb_table).T

    nb0 = 63
    nb1 = nblk - nb0
    e0 = nb0 * _MSG_B
    jb0 = e0 // (NW * BL)
    jb1 = (N_EDGES - e0) // (NW * BL)
    zeros = jnp.zeros((NPAD, HIDDEN), jnp.float32)

    eaT = edge_attr.T
    dpb_col = dp_b.reshape(HIDDEN, 1)
    msg0 = _msg_tc(eaT, ew3, zd3, dp_w, dpb_col, embT, 0, nb0)
    msg1 = _msg_tc(eaT, ew3, zd3, dp_w, dpb_col, embT, nb0, nb1)
    parts0 = _scatter_sc(msg0, src[:e0].reshape(NW, jb0, BL), zeros, jb0)
    parts1 = _scatter_sc(msg1, src[e0:].reshape(NW, jb1, BL), zeros, jb1)

    cwt = comb_w.T
    out = _out_tc(node_feat, parts0, parts1,
                  cwt[:HIDDEN], cwt[HIDDEN:], comb_b.reshape(1, HIDDEN))
    return out

# --- scband reference (transcript-rebuilt; emitter-appended) ---
"""Pipeline reference for scband-neighbor-embedding-19808389169521 (READ-ONLY COPY).

The authoritative reference and input builder live on the scoring server;
editing this copy changes nothing except your own understanding.
"""

import jax, jax.numpy as jnp
import numpy as np

CUTOFF = 5.0
NTYPES = 100
HIDDEN = 128
NUM_RBF = 64
N_NODES = 10000
N_EDGES = 320000


def cosine_cutoff(r, cutoff):
    return jnp.where(r < cutoff, 0.5 * (jnp.cos(r * jnp.pi / cutoff) + 1.0), 0.0)


def setup_inputs(seed: int = 0) -> dict:
    key = jax.random.key(seed)
    ks = jax.random.split(key, 10)
    z = jax.random.randint(ks[0], (N_NODES,), 0, NTYPES)
    node_feat = jax.random.normal(ks[1], (N_NODES, HIDDEN), dtype=jnp.float32)
    edge_index = jax.random.randint(ks[2], (2, N_EDGES), 0, N_NODES)
    edge_weight = jax.random.uniform(ks[3], (N_EDGES,), dtype=jnp.float32)
    edge_attr = jax.random.normal(ks[4], (N_EDGES, NUM_RBF), dtype=jnp.float32)
    emb_table = jax.random.normal(ks[5], (NTYPES, HIDDEN), dtype=jnp.float32)
    lim1 = np.sqrt(6.0 / (NUM_RBF + HIDDEN))
    dp_w = jax.random.uniform(ks[6], (HIDDEN, NUM_RBF), dtype=jnp.float32, minval=-lim1, maxval=lim1)
    dp_b = jnp.zeros((HIDDEN,), dtype=jnp.float32)
    lim2 = np.sqrt(6.0 / (2 * HIDDEN + HIDDEN))
    comb_w = jax.random.uniform(ks[7], (HIDDEN, 2 * HIDDEN), dtype=jnp.float32, minval=-lim2, maxval=lim2)
    comb_b = jnp.zeros((HIDDEN,), dtype=jnp.float32)
    return {
        "z": z,
        "node_feat": node_feat,
        "edge_index": edge_index,
        "edge_weight": edge_weight,
        "edge_attr": edge_attr,
        "emb_table": emb_table,
        "dp_w": dp_w,
        "dp_b": dp_b,
        "comb_w": comb_w,
        "comb_b": comb_b,
    }


def reference(z, node_feat, edge_index, edge_weight, edge_attr, emb_table, dp_w, dp_b, comb_w, comb_b):
    C = cosine_cutoff(edge_weight, CUTOFF)
    W = (edge_attr @ dp_w.T + dp_b) * C[:, None]
    x_neighbors = jnp.take(emb_table, z, axis=0)
    msg = W * jnp.take(x_neighbors, edge_index[1], axis=0)
    agg = jnp.zeros((node_feat.shape[0], node_feat.shape[1]), dtype=node_feat.dtype).at[edge_index[0]].add(msg)
    out = jnp.concatenate([node_feat, agg], axis=1) @ comb_w.T + comb_b
    return out

if __name__ == "__main__":
    import jax
    _d = setup_inputs()
    print(jax.jit(kernel)(*tuple(_d.values())))

</pallas_src>

<mosaic_0001>
#map = affine_map<(d0, d1) -> (0, 0)>
#map1 = affine_map<(d0, d1) -> (0, 0, 0)>
module attributes {stable_mosaic.version = 14 : i64} {
  func.func @scatter_kernel(%arg0: i32, %arg1: i32, %arg2: memref<161280x128xf32, #tpu.memory_space<hbm>>, %arg3: memref<32x63x80xi32, #tpu.memory_space<hbm>>, %arg4: memref<10240x128xf32, #tpu.memory_space<hbm>>, %arg5: memref<20480x128xf32, #tpu.memory_space<hbm>>, %arg6: memref<10240x128xf32, #tpu.memory_space<vmem_shared>>, %arg7: memref<63x80xi32, #tpu.memory_space<vmem>>, %arg8: memref<80x128xf32, #tpu.memory_space<vmem>>, %arg9: memref<80x128xf32, #tpu.memory_space<vmem>>, %arg10: memref<!tpu.dma_semaphore, #tpu.memory_space<semaphore_mem>>, %arg11: memref<!tpu.dma_semaphore, #tpu.memory_space<semaphore_mem>>, %arg12: memref<!tpu.dma_semaphore, #tpu.memory_space<semaphore_mem>>, %arg13: memref<!tpu.dma_semaphore, #tpu.memory_space<semaphore_mem>>) attributes {dimension_semantics = [#tpu.dimension_semantics<core_parallel>, #tpu.dimension_semantics<subcore_parallel>], iteration_bounds = array<i64: 2, 16>, scalar_prefetch = 0 : i64, scratch_operands = 8 : i64, tpu.core_type = #tpu.core_type<sc_vector_subcore>, window_params = [{transform_indices = #map}, {transform_indices = #map1}, {transform_indices = #map}, {transform_indices = #map}]} {
    %mul3A = arith.constant 2 : i32
    %mul3A_0 = arith.muli %arg1, %mul3A : i32
    %add3A = arith.addi %mul3A_0, %arg0 : i32
    %mul3A_1 = arith.constant 640 : i32
    %mul3A_2 = arith.muli %arg1, %mul3A_1 : i32
    %mul3A_3 = arith.constant 5040 : i32
    %mul3A_4 = arith.muli %add3A, %mul3A_3 : i32
    %add3A_5 = arith.constant 0 : i32
    %add3A_6 = arith.addi %mul3A_4, %add3A_5 : i32
    %dma_start3A = arith.constant 0 : i32
    %dma_start3A_7 = tpu.memref_slice %arg2[%add3A_6, %dma_start3A] : memref<161280x128xf32, #tpu.memory_space<hbm>> -> memref<80x128xf32, #tpu.memory_space<hbm>>
    %dma_start3A_8 = arith.constant 0 : i32
    %dma_start3A_9 = tpu.memref_slice %arg2[%add3A_6, %dma_start3A_8] : memref<161280x128xf32, #tpu.memory_space<hbm>> -> memref<80x128xf32, #tpu.memory_space<hbm>>
    tpu.enqueue_dma source(%dma_start3A_9 : memref<80x128xf32, #tpu.memory_space<hbm>>) target(%arg8 : memref<80x128xf32, #tpu.memory_space<vmem>>) target_semaphore(%arg10 : memref<!tpu.dma_semaphore, #tpu.memory_space<semaphore_mem>>)
    %add3A_10 = arith.constant 80 : i32
    %add3A_11 = arith.addi %mul3A_4, %add3A_10 : i32
    %dma_start3A_12 = arith.constant 0 : i32
    %dma_start3A_13 = tpu.memref_slice %arg2[%add3A_11, %dma_start3A_12] : memref<161280x128xf32, #tpu.memory_space<hbm>> -> memref<80x128xf32, #tpu.memory_space<hbm>>
    %dma_start3A_14 = arith.constant 0 : i32
    %dma_start3A_15 = tpu.memref_slice %arg2[%add3A_11, %dma_start3A_14] : memref<161280x128xf32, #tpu.memory_space<hbm>> -> memref<80x128xf32, #tpu.memory_space<hbm>>
    tpu.enqueue_dma source(%dma_start3A_15 : memref<80x128xf32, #tpu.memory_space<hbm>>) target(%arg9 : memref<80x128xf32, #tpu.memory_space<vmem>>) target_semaphore(%arg11 : memref<!tpu.dma_semaphore, #tpu.memory_space<semaphore_mem>>)
    "tpu.region"() ({
      %run_scoped3A_35 = tpu.sem_alloc : memref<!tpu.dma_semaphore, #tpu.memory_space<semaphore_mem>>
      %dma_start3A_36 = arith.constant 0 : i32
      %dma_start3A_37 = arith.constant 0 : i32
      %dma_start3A_38 = tpu.memref_slice %arg3[%add3A, %dma_start3A_36, %dma_start3A_37] : memref<32x63x80xi32, #tpu.memory_space<hbm>> -> memref<1x63x80xi32, #tpu.memory_space<hbm>>
      %dma_start3A_39 = tpu.memref_squeeze %dma_start3A_38 : memref<1x63x80xi32, #tpu.memory_space<hbm>> -> memref<63x80xi32, #tpu.memory_space<hbm>>
      %dma_start3A_40 = arith.constant 0 : i32
      %dma_start3A_41 = arith.constant 0 : i32
      %dma_start3A_42 = tpu.memref_slice %arg3[%add3A, %dma_start3A_40, %dma_start3A_41] : memref<32x63x80xi32, #tpu.memory_space<hbm>> -> memref<1x63x80xi32, #tpu.memory_space<hbm>>
      %dma_start3A_43 = tpu.memref_squeeze %dma_start3A_42 : memref<1x63x80xi32, #tpu.memory_space<hbm>> -> memref<63x80xi32, #tpu.memory_space<hbm>>
      tpu.enqueue_dma source(%dma_start3A_43 : memref<63x80xi32, #tpu.memory_space<hbm>>) target(%arg7 : memref<63x80xi32, #tpu.memory_space<vmem>>) target_semaphore(%run_scoped3A_35 : memref<!tpu.dma_semaphore, #tpu.memory_space<semaphore_mem>>)
      %dma_wait3A_44 = arith.constant 0 : i32
      %dma_wait3A_45 = arith.constant 0 : i32
      %dma_wait3A_46 = tpu.memref_slice %arg3[%add3A, %dma_wait3A_44, %dma_wait3A_45] : memref<32x63x80xi32, #tpu.memory_space<hbm>> -> memref<1x63x80xi32, #tpu.memory_space<hbm>>
      %dma_wait3A_47 = tpu.memref_squeeze %dma_wait3A_46 : memref<1x63x80xi32, #tpu.memory_space<hbm>> -> memref<63x80xi32, #tpu.memory_space<hbm>>
      %dma_wait3A_48 = arith.constant 0 : i32
      %dma_wait3A_49 = arith.constant 0 : i32
      %dma_wait3A_50 = tpu.memref_slice %arg3[%add3A, %dma_wait3A_48, %dma_wait3A_49] : memref<32x63x80xi32, #tpu.memory_space<hbm>> -> memref<1x63x80xi32, #tpu.memory_space<hbm>>
      %dma_wait3A_51 = tpu.memref_squeeze %dma_wait3A_50 : memref<1x63x80xi32, #tpu.memory_space<hbm>> -> memref<63x80xi32, #tpu.memory_space<hbm>>
      tpu.wait_dma2 semaphore(%run_scoped3A_35 : memref<!tpu.dma_semaphore, #tpu.memory_space<semaphore_mem>>) src(%dma_wait3A_51 : memref<63x80xi32, #tpu.memory_space<hbm>>) dst(%arg7 : memref<63x80xi32, #tpu.memory_space<vmem>>)
      tpu.yield
    }) : () -> ()
    "tpu.region"() ({
      %run_scoped3A_35 = tpu.sem_alloc : memref<!tpu.dma_semaphore, #tpu.memory_space<semaphore_mem>>
      %dma_start3A_36 = arith.constant 0 : i32
      %dma_start3A_37 = tpu.memref_slice %arg6[%mul3A_2, %dma_start3A_36] : memref<10240x128xf32, #tpu.memory_space<vmem_shared>> -> memref<640x128xf32, #tpu.memory_space<vmem_shared>>
      %dma_start3A_38 = arith.constant 0 : i32
      %dma_start3A_39 = tpu.memref_slice %arg4[%mul3A_2, %dma_start3A_38] : memref<10240x128xf32, #tpu.memory_space<hbm>> -> memref<640x128xf32, #tpu.memory_space<hbm>>
      tpu.enqueue_dma source(%dma_start3A_39 : memref<640x128xf32, #tpu.memory_space<hbm>>) target(%dma_start3A_37 : memref<640x128xf32, #tpu.memory_space<vmem_shared>>) target_semaphore(%run_scoped3A_35 : memref<!tpu.dma_semaphore, #tpu.memory_space<semaphore_mem>>)
      %dma_wait3A_40 = arith.constant 0 : i32
      %dma_wait3A_41 = tpu.memref_slice %arg6[%mul3A_2, %dma_wait3A_40] : memref<10240x128xf32, #tpu.memory_space<vmem_shared>> -> memref<640x128xf32, #tpu.memory_space<vmem_shared>>
      %dma_wait3A_42 = arith.constant 0 : i32
      %dma_wait3A_43 = tpu.memref_slice %arg4[%mul3A_2, %dma_wait3A_42] : memref<10240x128xf32, #tpu.memory_space<hbm>> -> memref<640x128xf32, #tpu.memory_space<hbm>>
      tpu.wait_dma2 semaphore(%run_scoped3A_35 : memref<!tpu.dma_semaphore, #tpu.memory_space<semaphore_mem>>) src(%dma_wait3A_43 : memref<640x128xf32, #tpu.memory_space<hbm>>) dst(%dma_wait3A_41 : memref<640x128xf32, #tpu.memory_space<vmem_shared>>)
      tpu.yield
    }) : () -> ()
    %barrier3A = arith.constant 0 : index
    tpu.barrier barrier_id(%barrier3A)
    %scan3A = arith.constant 0 : i32
    %scan3A_16 = arith.constant 0 : i32
    %scan3A_17 = arith.constant 31 : i32
    %scan3A_18 = arith.addi %scan3A_16, %scan3A_17 : i32
    %scan3A_19 = arith.constant 1 : i32
    scf.for %scan3A_35 = %scan3A_16 to %scan3A_18 step %scan3A_19  : i32 {
      %mul3A_36 = arith.constant 2 : i32
      %mul3A_37 = arith.muli %scan3A_35, %mul3A_36 : i32
      %add3A_38 = arith.constant 1 : i32
      %add3A_39 = arith.addi %mul3A_37, %add3A_38 : i32
      %dma_wait3A_40 = arith.constant 0 : i32
      %dma_wait3A_41 = tpu.memref_slice %arg2[%mul3A_4, %dma_wait3A_40] : memref<161280x128xf32, #tpu.memory_space<hbm>> -> memref<80x128xf32, #tpu.memory_space<hbm>>
      %dma_wait3A_42 = arith.constant 0 : i32
      %dma_wait3A_43 = tpu.memref_slice %arg2[%mul3A_4, %dma_wait3A_42] : memref<161280x128xf32, #tpu.memory_space<hbm>> -> memref<80x128xf32, #tpu.memory_space<hbm>>
      tpu.wait_dma2 semaphore(%arg10 : memref<!tpu.dma_semaphore, #tpu.memory_space<semaphore_mem>>) src(%dma_wait3A_43 : memref<80x128xf32, #tpu.memory_space<hbm>>) dst(%arg8 : memref<80x128xf32, #tpu.memory_space<vmem>>)
      %dma_start3A_44 = arith.constant 0 : i32
      %dma_start3A_45 = tpu.memref_slice %arg7[%mul3A_37, %dma_start3A_44] : memref<63x80xi32, #tpu.memory_space<vmem>> -> memref<1x80xi32, #tpu.memory_space<vmem>>
      %dma_start3A_46 = tpu.memref_squeeze %dma_start3A_45 : memref<1x80xi32, #tpu.memory_space<vmem>> -> memref<80xi32, #tpu.memory_space<vmem>>
      %dma_start3A_47 = arith.constant 0 : i32
      %dma_start3A_48 = arith.constant 0 : i32
      %dma_start3A_49 = tpu.memref_slice %arg6[%dma_start3A_47, %dma_start3A_48] : memref<10240x128xf32, #tpu.memory_space<vmem_shared>> -> memref<10240x128xf32, #tpu.memory_space<vmem_shared>>
      tpu.enqueue_indirect_dma source(%arg8 : memref<80x128xf32, #tpu.memory_space<vmem>>) target(%dma_start3A_49 : memref<10240x128xf32, #tpu.memory_space<vmem_shared>>) offsets(%dma_start3A_46 : memref<80xi32, #tpu.memory_space<vmem>>) semaphore(%arg12 : memref<!tpu.dma_semaphore, #tpu.memory_space<semaphore_mem>>) {add = true}
      %dma_wait3A_50 = arith.constant 0 : i32
      %dma_wait3A_51 = tpu.memref_slice %arg2[%mul3A_4, %dma_wait3A_50] : memref<161280x128xf32, #tpu.memory_space<hbm>> -> memref<80x128xf32, #tpu.memory_space<hbm>>
      %dma_wait3A_52 = arith.constant 0 : i32
      %dma_wait3A_53 = tpu.memref_slice %arg2[%mul3A_4, %dma_wait3A_52] : memref<161280x128xf32, #tpu.memory_space<hbm>> -> memref<80x128xf32, #tpu.memory_space<hbm>>
      tpu.wait_dma2 semaphore(%arg11 : memref<!tpu.dma_semaphore, #tpu.memory_space<semaphore_mem>>) src(%dma_wait3A_53 : memref<80x128xf32, #tpu.memory_space<hbm>>) dst(%arg9 : memref<80x128xf32, #tpu.memory_space<vmem>>)
      %dma_start3A_54 = arith.constant 0 : i32
      %dma_start3A_55 = tpu.memref_slice %arg7[%add3A_39, %dma_start3A_54] : memref<63x80xi32, #tpu.memory_space<vmem>> -> memref<1x80xi32, #tpu.memory_space<vmem>>
      %dma_start3A_56 = tpu.memref_squeeze %dma_start3A_55 : memref<1x80xi32, #tpu.memory_space<vmem>> -> memref<80xi32, #tpu.memory_space<vmem>>
      %dma_start3A_57 = arith.constant 0 : i32
      %dma_start3A_58 = arith.constant 0 : i32
      %dma_start3A_59 = tpu.memref_slice %arg6[%dma_start3A_57, %dma_start3A_58] : memref<10240x128xf32, #tpu.memory_space<vmem_shared>> -> memref<10240x128xf32, #tpu.memory_space<vmem_shared>>
      tpu.enqueue_indirect_dma source(%arg9 : memref<80x128xf32, #tpu.memory_space<vmem>>) target(%dma_start3A_59 : memref<10240x128xf32, #tpu.memory_space<vmem_shared>>) offsets(%dma_start3A_56 : memref<80xi32, #tpu.memory_space<vmem>>) semaphore(%arg13 : memref<!tpu.dma_semaphore, #tpu.memory_space<semaphore_mem>>) {add = true}
      %dma_wait3A_60 = arith.constant 0 : i32
      %dma_wait3A_61 = tpu.memref_slice %arg7[%mul3A_37, %dma_wait3A_60] : memref<63x80xi32, #tpu.memory_space<vmem>> -> memref<1x80xi32, #tpu.memory_space<vmem>>
      %dma_wait3A_62 = tpu.memref_squeeze %dma_wait3A_61 : memref<1x80xi32, #tpu.memory_space<vmem>> -> memref<80xi32, #tpu.memory_space<vmem>>
      %dma_wait3A_63 = arith.constant 0 : i32
      %dma_wait3A_64 = arith.constant 0 : i32
      %dma_wait3A_65 = tpu.memref_slice %arg6[%dma_wait3A_63, %dma_wait3A_64] : memref<10240x128xf32, #tpu.memory_space<vmem_shared>> -> memref<10240x128xf32, #tpu.memory_space<vmem_shared>>
      tpu.wait_indirect_dma semaphore(%arg12 : memref<!tpu.dma_semaphore, #tpu.memory_space<semaphore_mem>>) src(%arg8 : memref<80x128xf32, #tpu.memory_space<vmem>>) dst(%dma_wait3A_65 : memref<10240x128xf32, #tpu.memory_space<vmem_shared>>)
      %add3A_66 = arith.constant 2 : i32
      %add3A_67 = arith.addi %mul3A_37, %add3A_66 : i32
      %mul3A_68 = arith.constant 80 : i32
      %mul3A_69 = arith.muli %add3A_67, %mul3A_68 : i32
      %add3A_70 = arith.addi %mul3A_4, %mul3A_69 : i32
      %dma_start3A_71 = arith.constant 0 : i32
      %dma_start3A_72 = tpu.memref_slice %arg2[%add3A_70, %dma_start3A_71] : memref<161280x128xf32, #tpu.memory_space<hbm>> -> memref<80x128xf32, #tpu.memory_space<hbm>>
      %dma_start3A_73 = arith.constant 0 : i32
      %dma_start3A_74 = tpu.memref_slice %arg2[%add3A_70, %dma_start3A_73] : memref<161280x128xf32, #tpu.memory_space<hbm>> -> memref<80x128xf32, #tpu.memory_space<hbm>>
      tpu.enqueue_dma source(%dma_start3A_74 : memref<80x128xf32, #tpu.memory_space<hbm>>) target(%arg8 : memref<80x128xf32, #tpu.memory_space<vmem>>) target_semaphore(%arg10 : memref<!tpu.dma_semaphore, #tpu.memory_space<semaphore_mem>>)
      %add3A_75 = arith.constant 2 : i32
      %add3A_76 = arith.addi %add3A_39, %add3A_75 : i32
      %lt3A = arith.constant 63 : i32
      %lt3A_77 = arith.cmpi slt, %add3A_76, %lt3A : i32
      %convert_element_type3A = arith.extui %lt3A_77 : i1 to i32
      %cond3A = arith.constant 0 : i32
      %cond3A_78 = arith.cmpi ne, %convert_element_type3A, %cond3A : i32
      scf.if %cond3A_78 {
        %dma_wait3A_79 = arith.constant 0 : i32
        %dma_wait3A_80 = tpu.memref_slice %arg7[%add3A_39, %dma_wait3A_79] : memref<63x80xi32, #tpu.memory_space<vmem>> -> memref<1x80xi32, #tpu.memory_space<vmem>>
        %dma_wait3A_81 = tpu.memref_squeeze %dma_wait3A_80 : memref<1x80xi32, #tpu.memory_space<vmem>> -> memref<80xi32, #tpu.memory_space<vmem>>
        %dma_wait3A_82 = arith.constant 0 : i32
        %dma_wait3A_83 = arith.constant 0 : i32
        %dma_wait3A_84 = tpu.memref_slice %arg6[%dma_wait3A_82, %dma_wait3A_83] : memref<10240x128xf32, #tpu.memory_space<vmem_shared>> -> memref<10240x128xf32, #tpu.memory_space<vmem_shared>>
        tpu.wait_indirect_dma semaphore(%arg13 : memref<!tpu.dma_semaphore, #tpu.memory_space<semaphore_mem>>) src(%arg9 : memref<80x128xf32, #tpu.memory_space<vmem>>) dst(%dma_wait3A_84 : memref<10240x128xf32, #tpu.memory_space<vmem_shared>>)
        %add3A_85 = arith.constant 2 : i32
        %add3A_86 = arith.addi %add3A_39, %add3A_85 : i32
        %mul3A_87 = arith.constant 80 : i32
        %mul3A_88 = arith.muli %add3A_86, %mul3A_87 : i32
        %add3A_89 = arith.addi %mul3A_4, %mul3A_88 : i32
        %dma_start3A_90 = arith.constant 0 : i32
        %dma_start3A_91 = tpu.memref_slice %arg2[%add3A_89, %dma_start3A_90] : memref<161280x128xf32, #tpu.memory_space<hbm>> -> memref<80x128xf32, #tpu.memory_space<hbm>>
        %dma_start3A_92 = arith.constant 0 : i32
        %dma_start3A_93 = tpu.memref_slice %arg2[%add3A_89, %dma_start3A_92] : memref<161280x128xf32, #tpu.memory_space<hbm>> -> memref<80x128xf32, #tpu.memory_space<hbm>>
        tpu.enqueue_dma source(%dma_start3A_93 : memref<80x128xf32, #tpu.memory_space<hbm>>) target(%arg9 : memref<80x128xf32, #tpu.memory_space<vmem>>) target_semaphore(%arg11 : memref<!tpu.dma_semaphore, #tpu.memory_space<semaphore_mem>>)
      } else {
      }
    }
    %scan3A_20 = arith.constant 31 : i32
    %dma_wait3A = arith.constant 0 : i32
    %dma_wait3A_21 = tpu.memref_slice %arg2[%mul3A_4, %dma_wait3A] : memref<161280x128xf32, #tpu.memory_space<hbm>> -> memref<80x128xf32, #tpu.memory_space<hbm>>
    %dma_wait3A_22 = arith.constant 0 : i32
    %dma_wait3A_23 = tpu.memref_slice %arg2[%mul3A_4, %dma_wait3A_22] : memref<161280x128xf32, #tpu.memory_space<hbm>> -> memref<80x128xf32, #tpu.memory_space<hbm>>
    tpu.wait_dma2 semaphore(%arg10 : memref<!tpu.dma_semaphore, #tpu.memory_space<semaphore_mem>>) src(%dma_wait3A_23 : memref<80x128xf32, #tpu.memory_space<hbm>>) dst(%arg8 : memref<80x128xf32, #tpu.memory_space<vmem>>)
    %dma_wait3A_24 = arith.constant 61 : i32
    %dma_wait3A_25 = arith.constant 0 : i32
    %dma_wait3A_26 = tpu.memref_slice %arg7[%dma_wait3A_24, %dma_wait3A_25] : memref<63x80xi32, #tpu.memory_space<vmem>> -> memref<1x80xi32, #tpu.memory_space<vmem>>
    %dma_wait3A_27 = tpu.memref_squeeze %dma_wait3A_26 : memref<1x80xi32, #tpu.memory_space<vmem>> -> memref<80xi32, #tpu.memory_space<vmem>>
    %dma_wait3A_28 = arith.constant 0 : i32
    %dma_wait3A_29 = arith.constant 0 : i32
    %dma_wait3A_30 = tpu.memref_slice %arg6[%dma_wait3A_28, %dma_wait3A_29] : memref<10240x128xf32, #tpu.memory_space<vmem_shared>> -> memref<10240x128xf32, #tpu.memory_space<vmem_shared>>
    tpu.wait_indirect_dma semaphore(%arg13 : memref<!tpu.dma_semaphore, #tpu.memory_space<semaphore_mem>>) src(%arg9 : memref<80x128xf32, #tpu.memory_space<vmem>>) dst(%dma_wait3A_30 : memref<10240x128xf32, #tpu.memory_space<vmem_shared>>)
    %run_scoped3A = arith.constant 62 : i32
    "tpu.region"() ({
      %run_scoped3A_35 = tpu.sem_alloc : memref<!tpu.dma_semaphore, #tpu.memory_space<semaphore_mem>>
      %dma_start3A_36 = arith.constant 0 : i32
      %dma_start3A_37 = tpu.memref_slice %arg7[%run_scoped3A, %dma_start3A_36] : memref<63x80xi32, #tpu.memory_space<vmem>> -> memref<1x80xi32, #tpu.memory_space<vmem>>
      %dma_start3A_38 = tpu.memref_squeeze %dma_start3A_37 : memref<1x80xi32, #tpu.memory_space<vmem>> -> memref<80xi32, #tpu.memory_space<vmem>>
      %dma_start3A_39 = arith.constant 0 : i32
      %dma_start3A_40 = arith.constant 0 : i32
      %dma_start3A_41 = tpu.memref_slice %arg6[%dma_start3A_39, %dma_start3A_40] : memref<10240x128xf32, #tpu.memory_space<vmem_shared>> -> memref<10240x128xf32, #tpu.memory_space<vmem_shared>>
      tpu.enqueue_indirect_dma source(%arg8 : memref<80x128xf32, #tpu.memory_space<vmem>>) target(%dma_start3A_41 : memref<10240x128xf32, #tpu.memory_space<vmem_shared>>) offsets(%dma_start3A_38 : memref<80xi32, #tpu.memory_space<vmem>>) semaphore(%run_scoped3A_35 : memref<!tpu.dma_semaphore, #tpu.memory_space<semaphore_mem>>) {add = true}
      %dma_wait3A_42 = arith.constant 0 : i32
      %dma_wait3A_43 = tpu.memref_slice %arg7[%run_scoped3A, %dma_wait3A_42] : memref<63x80xi32, #tpu.memory_space<vmem>> -> memref<1x80xi32, #tpu.memory_space<vmem>>
      %dma_wait3A_44 = tpu.memref_squeeze %dma_wait3A_43 : memref<1x80xi32, #tpu.memory_space<vmem>> -> memref<80xi32, #tpu.memory_space<vmem>>
      %dma_wait3A_45 = arith.constant 0 : i32
      %dma_wait3A_46 = arith.constant 0 : i32
      %dma_wait3A_47 = tpu.memref_slice %arg6[%dma_wait3A_45, %dma_wait3A_46] : memref<10240x128xf32, #tpu.memory_space<vmem_shared>> -> memref<10240x128xf32, #tpu.memory_space<vmem_shared>>
      tpu.wait_indirect_dma semaphore(%run_scoped3A_35 : memref<!tpu.dma_semaphore, #tpu.memory_space<semaphore_mem>>) src(%arg8 : memref<80x128xf32, #tpu.memory_space<vmem>>) dst(%dma_wait3A_47 : memref<10240x128xf32, #tpu.memory_space<vmem_shared>>)
      tpu.yield
    }) : () -> ()
    %barrier3A_31 = arith.constant 0 : index
    tpu.barrier barrier_id(%barrier3A_31)
    %mul3A_32 = arith.constant 10240 : i32
    %mul3A_33 = arith.muli %arg0, %mul3A_32 : i32
    %add3A_34 = arith.addi %mul3A_33, %mul3A_2 : i32
    "tpu.region"() ({
      %run_scoped3A_35 = tpu.sem_alloc : memref<!tpu.dma_semaphore, #tpu.memory_space<semaphore_mem>>
      %dma_start3A_36 = arith.constant 0 : i32
      %dma_start3A_37 = tpu.memref_slice %arg5[%add3A_34, %dma_start3A_36] : memref<20480x128xf32, #tpu.memory_space<hbm>> -> memref<640x128xf32, #tpu.memory_space<hbm>>
      %dma_start3A_38 = arith.constant 0 : i32
      %dma_start3A_39 = tpu.memref_slice %arg6[%mul3A_2, %dma_start3A_38] : memref<10240x128xf32, #tpu.memory_space<vmem_shared>> -> memref<640x128xf32, #tpu.memory_space<vmem_shared>>
      tpu.enqueue_dma source(%dma_start3A_39 : memref<640x128xf32, #tpu.memory_space<vmem_shared>>) target(%dma_start3A_37 : memref<640x128xf32, #tpu.memory_space<hbm>>) target_semaphore(%run_scoped3A_35 : memref<!tpu.dma_semaphore, #tpu.memory_space<semaphore_mem>>)
      %dma_wait3A_40 = arith.constant 0 : i32
      %dma_wait3A_41 = tpu.memref_slice %arg5[%add3A_34, %dma_wait3A_40] : memref<20480x128xf32, #tpu.memory_space<hbm>> -> memref<640x128xf32, #tpu.memory_space<hbm>>
      %dma_wait3A_42 = arith.constant 0 : i32
      %dma_wait3A_43 = tpu.memref_slice %arg6[%mul3A_2, %dma_wait3A_42] : memref<10240x128xf32, #tpu.memory_space<vmem_shared>> -> memref<640x128xf32, #tpu.memory_space<vmem_shared>>
      tpu.wait_dma2 semaphore(%run_scoped3A_35 : memref<!tpu.dma_semaphore, #tpu.memory_space<semaphore_mem>>) src(%dma_wait3A_43 : memref<640x128xf32, #tpu.memory_space<vmem_shared>>) dst(%dma_wait3A_41 : memref<640x128xf32, #tpu.memory_space<hbm>>)
      tpu.yield
    }) : () -> ()
    return
  }
}

#map = affine_map<(d0, d1) -> (0)>
#map1 = affine_map<(d0, d1) -> (0, 0)>
module attributes {stable_mosaic.version = 14 : i64} {
  func.func @zdst_kernel(%arg0: i32, %arg1: i32, %arg2: memref<10000xi32, #tpu.memory_space<hbm>>, %arg3: memref<32x10000xi32, #tpu.memory_space<hbm>>, %arg4: memref<32x10000xi32, #tpu.memory_space<hbm>>, %arg5: memref<10000xi32, #tpu.memory_space<vmem>>, %arg6: memref<10000xi32, #tpu.memory_space<vmem>>, %arg7: memref<10000xi32, #tpu.memory_space<vmem>>) attributes {dimension_semantics = [#tpu.dimension_semantics<core_parallel>, #tpu.dimension_semantics<subcore_parallel>], iteration_bounds = array<i64: 2, 16>, scalar_prefetch = 0 : i64, scratch_operands = 3 : i64, tpu.core_type = #tpu.core_type<sc_vector_subcore>, window_params = [{transform_indices = #map}, {transform_indices = #map1}, {transform_indices = #map1}]} {
    %mul3A = arith.constant 2 : i32
    %mul3A_0 = arith.muli %arg1, %mul3A : i32
    %add3A = arith.addi %mul3A_0, %arg0 : i32
    "tpu.region"() ({
      %run_scoped3A = tpu.sem_alloc : memref<!tpu.dma_semaphore, #tpu.memory_space<semaphore_mem>>
      tpu.enqueue_dma source(%arg2 : memref<10000xi32, #tpu.memory_space<hbm>>) target(%arg5 : memref<10000xi32, #tpu.memory_space<vmem>>) target_semaphore(%run_scoped3A : memref<!tpu.dma_semaphore, #tpu.memory_space<semaphore_mem>>)
      tpu.wait_dma2 semaphore(%run_scoped3A : memref<!tpu.dma_semaphore, #tpu.memory_space<semaphore_mem>>) src(%arg2 : memref<10000xi32, #tpu.memory_space<hbm>>) dst(%arg5 : memref<10000xi32, #tpu.memory_space<vmem>>)
      tpu.yield
    }) : () -> ()
    "tpu.region"() ({
      %run_scoped3A = tpu.sem_alloc : memref<!tpu.dma_semaphore, #tpu.memory_space<semaphore_mem>>
      %dma_start3A = arith.constant 0 : i32
      %dma_start3A_6 = tpu.memref_slice %arg3[%add3A, %dma_start3A] : memref<32x10000xi32, #tpu.memory_space<hbm>> -> memref<1x10000xi32, #tpu.memory_space<hbm>>
      %dma_start3A_7 = tpu.memref_squeeze %dma_start3A_6 : memref<1x10000xi32, #tpu.memory_space<hbm>> -> memref<10000xi32, #tpu.memory_space<hbm>>
      %dma_start3A_8 = arith.constant 0 : i32
      %dma_start3A_9 = tpu.memref_slice %arg3[%add3A, %dma_start3A_8] : memref<32x10000xi32, #tpu.memory_space<hbm>> -> memref<1x10000xi32, #tpu.memory_space<hbm>>
      %dma_start3A_10 = tpu.memref_squeeze %dma_start3A_9 : memref<1x10000xi32, #tpu.memory_space<hbm>> -> memref<10000xi32, #tpu.memory_space<hbm>>
      tpu.enqueue_dma source(%dma_start3A_10 : memref<10000xi32, #tpu.memory_space<hbm>>) target(%arg6 : memref<10000xi32, #tpu.memory_space<vmem>>) target_semaphore(%run_scoped3A : memref<!tpu.dma_semaphore, #tpu.memory_space<semaphore_mem>>)
      %dma_wait3A = arith.constant 0 : i32
      %dma_wait3A_11 = tpu.memref_slice %arg3[%add3A, %dma_wait3A] : memref<32x10000xi32, #tpu.memory_space<hbm>> -> memref<1x10000xi32, #tpu.memory_space<hbm>>
      %dma_wait3A_12 = tpu.memref_squeeze %dma_wait3A_11 : memref<1x10000xi32, #tpu.memory_space<hbm>> -> memref<10000xi32, #tpu.memory_space<hbm>>
      %dma_wait3A_13 = arith.constant 0 : i32
      %dma_wait3A_14 = tpu.memref_slice %arg3[%add3A, %dma_wait3A_13] : memref<32x10000xi32, #tpu.memory_space<hbm>> -> memref<1x10000xi32, #tpu.memory_space<hbm>>
      %dma_wait3A_15 = tpu.memref_squeeze %dma_wait3A_14 : memref<1x10000xi32, #tpu.memory_space<hbm>> -> memref<10000xi32, #tpu.memory_space<hbm>>
      tpu.wait_dma2 semaphore(%run_scoped3A : memref<!tpu.dma_semaphore, #tpu.memory_space<semaphore_mem>>) src(%dma_wait3A_15 : memref<10000xi32, #tpu.memory_space<hbm>>) dst(%arg6 : memref<10000xi32, #tpu.memory_space<vmem>>)
      tpu.yield
    }) : () -> ()
    %scan3A = arith.constant 0 : i32
    %scan3A_1 = arith.constant 0 : i32
    %scan3A_2 = arith.constant 625 : i32
    %scan3A_3 = arith.addi %scan3A_1, %scan3A_2 : i32
    %scan3A_4 = arith.constant 1 : i32
    scf.for %scan3A_6 = %scan3A_1 to %scan3A_3 step %scan3A_4  : i32 {
      %mul3A_7 = arith.constant 16 : i32
      %mul3A_8 = arith.muli %scan3A_6, %mul3A_7 : i32
      %get3A = arith.index_cast %mul3A_8 : i32 to index
      %get3A_9 = tpu.vector_load %arg6[%get3A] {strides = array<i32>} : memref<10000xi32, #tpu.memory_space<vmem>>, vector<16xi32>,
      %gather3A = tpu.vector_load_idx %arg5[%get3A_9] : memref<10000xi32, #tpu.memory_space<vmem>>[vector<16xi32>], vector<16xi32>,
      %mul3A_10 = arith.constant 16 : i32
      %mul3A_11 = arith.muli %scan3A_6, %mul3A_10 : i32
      %swap3A = arith.index_cast %mul3A_11 : i32 to index
      %swap3A_12 = tpu.vector_load %arg7[%swap3A] {strides = array<i32>} : memref<10000xi32, #tpu.memory_space<vmem>>, vector<16xi32>,
      tpu.vector_store %arg7[%swap3A], %gather3A {strides = array<i32>} : memref<10000xi32, #tpu.memory_space<vmem>>, vector<16xi32>,
    }
    %scan3A_5 = arith.constant 625 : i32
    "tpu.region"() ({
      %run_scoped3A = tpu.sem_alloc : memref<!tpu.dma_semaphore, #tpu.memory_space<semaphore_mem>>
      %dma_start3A = arith.constant 0 : i32
      %dma_start3A_6 = tpu.memref_slice %arg4[%add3A, %dma_start3A] : memref<32x10000xi32, #tpu.memory_space<hbm>> -> memref<1x10000xi32, #tpu.memory_space<hbm>>
      %dma_start3A_7 = tpu.memref_squeeze %dma_start3A_6 : memref<1x10000xi32, #tpu.memory_space<hbm>> -> memref<10000xi32, #tpu.memory_space<hbm>>
      %dma_start3A_8 = arith.constant 0 : i32
      %dma_start3A_9 = tpu.memref_slice %arg4[%add3A, %dma_start3A_8] : memref<32x10000xi32, #tpu.memory_space<hbm>> -> memref<1x10000xi32, #tpu.memory_space<hbm>>
      %dma_start3A_10 = tpu.memref_squeeze %dma_start3A_9 : memref<1x10000xi32, #tpu.memory_space<hbm>> -> memref<10000xi32, #tpu.memory_space<hbm>>
      tpu.enqueue_dma source(%arg7 : memref<10000xi32, #tpu.memory_space<vmem>>) target(%dma_start3A_10 : memref<10000xi32, #tpu.memory_space<hbm>>) target_semaphore(%run_scoped3A : memref<!tpu.dma_semaphore, #tpu.memory_space<semaphore_mem>>)
      %dma_wait3A = arith.constant 0 : i32
      %dma_wait3A_11 = tpu.memref_slice %arg4[%add3A, %dma_wait3A] : memref<32x10000xi32, #tpu.memory_space<hbm>> -> memref<1x10000xi32, #tpu.memory_space<hbm>>
      %dma_wait3A_12 = tpu.memref_squeeze %dma_wait3A_11 : memref<1x10000xi32, #tpu.memory_space<hbm>> -> memref<10000xi32, #tpu.memory_space<hbm>>
      %dma_wait3A_13 = arith.constant 0 : i32
      %dma_wait3A_14 = tpu.memref_slice %arg4[%add3A, %dma_wait3A_13] : memref<32x10000xi32, #tpu.memory_space<hbm>> -> memref<1x10000xi32, #tpu.memory_space<hbm>>
      %dma_wait3A_15 = tpu.memref_squeeze %dma_wait3A_14 : memref<1x10000xi32, #tpu.memory_space<hbm>> -> memref<10000xi32, #tpu.memory_space<hbm>>
      tpu.wait_dma2 semaphore(%run_scoped3A : memref<!tpu.dma_semaphore, #tpu.memory_space<semaphore_mem>>) src(%arg7 : memref<10000xi32, #tpu.memory_space<vmem>>) dst(%dma_wait3A_15 : memref<10000xi32, #tpu.memory_space<hbm>>)
      tpu.yield
    }) : () -> ()
    return
  }
}

#map = affine_map<(d0, d1) -> (0, 0)>
#map1 = affine_map<(d0, d1) -> (0, 0, 0)>
module attributes {stable_mosaic.version = 14 : i64} {
  func.func @scatter_kernel(%arg0: i32, %arg1: i32, %arg2: memref<158720x128xf32, #tpu.memory_space<hbm>>, %arg3: memref<32x62x80xi32, #tpu.memory_space<hbm>>, %arg4: memref<10240x128xf32, #tpu.memory_space<hbm>>, %arg5: memref<20480x128xf32, #tpu.memory_space<hbm>>, %arg6: memref<10240x128xf32, #tpu.memory_space<vmem_shared>>, %arg7: memref<62x80xi32, #tpu.memory_space<vmem>>, %arg8: memref<80x128xf32, #tpu.memory_space<vmem>>, %arg9: memref<80x128xf32, #tpu.memory_space<vmem>>, %arg10: memref<!tpu.dma_semaphore, #tpu.memory_space<semaphore_mem>>, %arg11: memref<!tpu.dma_semaphore, #tpu.memory_space<semaphore_mem>>, %arg12: memref<!tpu.dma_semaphore, #tpu.memory_space<semaphore_mem>>, %arg13: memref<!tpu.dma_semaphore, #tpu.memory_space<semaphore_mem>>) attributes {dimension_semantics = [#tpu.dimension_semantics<core_parallel>, #tpu.dimension_semantics<subcore_parallel>], iteration_bounds = array<i64: 2, 16>, scalar_prefetch = 0 : i64, scratch_operands = 8 : i64, tpu.core_type = #tpu.core_type<sc_vector_subcore>, window_params = [{transform_indices = #map}, {transform_indices = #map1}, {transform_indices = #map}, {transform_indices = #map}]} {
    %mul3A = arith.constant 2 : i32
    %mul3A_0 = arith.muli %arg1, %mul3A : i32
    %add3A = arith.addi %mul3A_0, %arg0 : i32
    %mul3A_1 = arith.constant 640 : i32
    %mul3A_2 = arith.muli %arg1, %mul3A_1 : i32
    %mul3A_3 = arith.constant 4960 : i32
    %mul3A_4 = arith.muli %add3A, %mul3A_3 : i32
    %add3A_5 = arith.constant 0 : i32
    %add3A_6 = arith.addi %mul3A_4, %add3A_5 : i32
    %dma_start3A = arith.constant 0 : i32
    %dma_start3A_7 = tpu.memref_slice %arg2[%add3A_6, %dma_start3A] : memref<158720x128xf32, #tpu.memory_space<hbm>> -> memref<80x128xf32, #tpu.memory_space<hbm>>
    %dma_start3A_8 = arith.constant 0 : i32
    %dma_start3A_9 = tpu.memref_slice %arg2[%add3A_6, %dma_start3A_8] : memref<158720x128xf32, #tpu.memory_space<hbm>> -> memref<80x128xf32, #tpu.memory_space<hbm>>
    tpu.enqueue_dma source(%dma_start3A_9 : memref<80x128xf32, #tpu.memory_space<hbm>>) target(%arg8 : memref<80x128xf32, #tpu.memory_space<vmem>>) target_semaphore(%arg10 : memref<!tpu.dma_semaphore, #tpu.memory_space<semaphore_mem>>)
    %add3A_10 = arith.constant 80 : i32
    %add3A_11 = arith.addi %mul3A_4, %add3A_10 : i32
    %dma_start3A_12 = arith.constant 0 : i32
    %dma_start3A_13 = tpu.memref_slice %arg2[%add3A_11, %dma_start3A_12] : memref<158720x128xf32, #tpu.memory_space<hbm>> -> memref<80x128xf32, #tpu.memory_space<hbm>>
    %dma_start3A_14 = arith.constant 0 : i32
    %dma_start3A_15 = tpu.memref_slice %arg2[%add3A_11, %dma_start3A_14] : memref<158720x128xf32, #tpu.memory_space<hbm>> -> memref<80x128xf32, #tpu.memory_space<hbm>>
    tpu.enqueue_dma source(%dma_start3A_15 : memref<80x128xf32, #tpu.memory_space<hbm>>) target(%arg9 : memref<80x128xf32, #tpu.memory_space<vmem>>) target_semaphore(%arg11 : memref<!tpu.dma_semaphore, #tpu.memory_space<semaphore_mem>>)
    "tpu.region"() ({
      %run_scoped3A_33 = tpu.sem_alloc : memref<!tpu.dma_semaphore, #tpu.memory_space<semaphore_mem>>
      %dma_start3A_34 = arith.constant 0 : i32
      %dma_start3A_35 = arith.constant 0 : i32
      %dma_start3A_36 = tpu.memref_slice %arg3[%add3A, %dma_start3A_34, %dma_start3A_35] : memref<32x62x80xi32, #tpu.memory_space<hbm>> -> memref<1x62x80xi32, #tpu.memory_space<hbm>>
      %dma_start3A_37 = tpu.memref_squeeze %dma_start3A_36 : memref<1x62x80xi32, #tpu.memory_space<hbm>> -> memref<62x80xi32, #tpu.memory_space<hbm>>
      %dma_start3A_38 = arith.constant 0 : i32
      %dma_start3A_39 = arith.constant 0 : i32
      %dma_start3A_40 = tpu.memref_slice %arg3[%add3A, %dma_start3A_38, %dma_start3A_39] : memref<32x62x80xi32, #tpu.memory_space<hbm>> -> memref<1x62x80xi32, #tpu.memory_space<hbm>>
      %dma_start3A_41 = tpu.memref_squeeze %dma_start3A_40 : memref<1x62x80xi32, #tpu.memory_space<hbm>> -> memref<62x80xi32, #tpu.memory_space<hbm>>
      tpu.enqueue_dma source(%dma_start3A_41 : memref<62x80xi32, #tpu.memory_space<hbm>>) target(%arg7 : memref<62x80xi32, #tpu.memory_space<vmem>>) target_semaphore(%run_scoped3A_33 : memref<!tpu.dma_semaphore, #tpu.memory_space<semaphore_mem>>)
      %dma_wait3A_42 = arith.constant 0 : i32
      %dma_wait3A_43 = arith.constant 0 : i32
      %dma_wait3A_44 = tpu.memref_slice %arg3[%add3A, %dma_wait3A_42, %dma_wait3A_43] : memref<32x62x80xi32, #tpu.memory_space<hbm>> -> memref<1x62x80xi32, #tpu.memory_space<hbm>>
      %dma_wait3A_45 = tpu.memref_squeeze %dma_wait3A_44 : memref<1x62x80xi32, #tpu.memory_space<hbm>> -> memref<62x80xi32, #tpu.memory_space<hbm>>
      %dma_wait3A_46 = arith.constant 0 : i32
      %dma_wait3A_47 = arith.constant 0 : i32
      %dma_wait3A_48 = tpu.memref_slice %arg3[%add3A, %dma_wait3A_46, %dma_wait3A_47] : memref<32x62x80xi32, #tpu.memory_space<hbm>> -> memref<1x62x80xi32, #tpu.memory_space<hbm>>
      %dma_wait3A_49 = tpu.memref_squeeze %dma_wait3A_48 : memref<1x62x80xi32, #tpu.memory_space<hbm>> -> memref<62x80xi32, #tpu.memory_space<hbm>>
      tpu.wait_dma2 semaphore(%run_scoped3A_33 : memref<!tpu.dma_semaphore, #tpu.memory_space<semaphore_mem>>) src(%dma_wait3A_49 : memref<62x80xi32, #tpu.memory_space<hbm>>) dst(%arg7 : memref<62x80xi32, #tpu.memory_space<vmem>>)
      tpu.yield
    }) : () -> ()
    "tpu.region"() ({
      %run_scoped3A_33 = tpu.sem_alloc : memref<!tpu.dma_semaphore, #tpu.memory_space<semaphore_mem>>
      %dma_start3A_34 = arith.constant 0 : i32
      %dma_start3A_35 = tpu.memref_slice %arg6[%mul3A_2, %dma_start3A_34] : memref<10240x128xf32, #tpu.memory_space<vmem_shared>> -> memref<640x128xf32, #tpu.memory_space<vmem_shared>>
      %dma_start3A_36 = arith.constant 0 : i32
      %dma_start3A_37 = tpu.memref_slice %arg4[%mul3A_2, %dma_start3A_36] : memref<10240x128xf32, #tpu.memory_space<hbm>> -> memref<640x128xf32, #tpu.memory_space<hbm>>
      tpu.enqueue_dma source(%dma_start3A_37 : memref<640x128xf32, #tpu.memory_space<hbm>>) target(%dma_start3A_35 : memref<640x128xf32, #tpu.memory_space<vmem_shared>>) target_semaphore(%run_scoped3A_33 : memref<!tpu.dma_semaphore, #tpu.memory_space<semaphore_mem>>)
      %dma_wait3A_38 = arith.constant 0 : i32
      %dma_wait3A_39 = tpu.memref_slice %arg6[%mul3A_2, %dma_wait3A_38] : memref<10240x128xf32, #tpu.memory_space<vmem_shared>> -> memref<640x128xf32, #tpu.memory_space<vmem_shared>>
      %dma_wait3A_40 = arith.constant 0 : i32
      %dma_wait3A_41 = tpu.memref_slice %arg4[%mul3A_2, %dma_wait3A_40] : memref<10240x128xf32, #tpu.memory_space<hbm>> -> memref<640x128xf32, #tpu.memory_space<hbm>>
      tpu.wait_dma2 semaphore(%run_scoped3A_33 : memref<!tpu.dma_semaphore, #tpu.memory_space<semaphore_mem>>) src(%dma_wait3A_41 : memref<640x128xf32, #tpu.memory_space<hbm>>) dst(%dma_wait3A_39 : memref<640x128xf32, #tpu.memory_space<vmem_shared>>)
      tpu.yield
    }) : () -> ()
    %barrier3A = arith.constant 0 : index
    tpu.barrier barrier_id(%barrier3A)
    %scan3A = arith.constant 0 : i32
    %scan3A_16 = arith.constant 0 : i32
    %scan3A_17 = arith.constant 30 : i32
    %scan3A_18 = arith.addi %scan3A_16, %scan3A_17 : i32
    %scan3A_19 = arith.constant 1 : i32
    scf.for %scan3A_33 = %scan3A_16 to %scan3A_18 step %scan3A_19  : i32 {
      %mul3A_34 = arith.constant 2 : i32
      %mul3A_35 = arith.muli %scan3A_33, %mul3A_34 : i32
      %add3A_36 = arith.constant 1 : i32
      %add3A_37 = arith.addi %mul3A_35, %add3A_36 : i32
      %dma_wait3A_38 = arith.constant 0 : i32
      %dma_wait3A_39 = tpu.memref_slice %arg2[%mul3A_4, %dma_wait3A_38] : memref<158720x128xf32, #tpu.memory_space<hbm>> -> memref<80x128xf32, #tpu.memory_space<hbm>>
      %dma_wait3A_40 = arith.constant 0 : i32
      %dma_wait3A_41 = tpu.memref_slice %arg2[%mul3A_4, %dma_wait3A_40] : memref<158720x128xf32, #tpu.memory_space<hbm>> -> memref<80x128xf32, #tpu.memory_space<hbm>>
      tpu.wait_dma2 semaphore(%arg10 : memref<!tpu.dma_semaphore, #tpu.memory_space<semaphore_mem>>) src(%dma_wait3A_41 : memref<80x128xf32, #tpu.memory_space<hbm>>) dst(%arg8 : memref<80x128xf32, #tpu.memory_space<vmem>>)
      %dma_start3A_42 = arith.constant 0 : i32
      %dma_start3A_43 = tpu.memref_slice %arg7[%mul3A_35, %dma_start3A_42] : memref<62x80xi32, #tpu.memory_space<vmem>> -> memref<1x80xi32, #tpu.memory_space<vmem>>
      %dma_start3A_44 = tpu.memref_squeeze %dma_start3A_43 : memref<1x80xi32, #tpu.memory_space<vmem>> -> memref<80xi32, #tpu.memory_space<vmem>>
      %dma_start3A_45 = arith.constant 0 : i32
      %dma_start3A_46 = arith.constant 0 : i32
      %dma_start3A_47 = tpu.memref_slice %arg6[%dma_start3A_45, %dma_start3A_46] : memref<10240x128xf32, #tpu.memory_space<vmem_shared>> -> memref<10240x128xf32, #tpu.memory_space<vmem_shared>>
      tpu.enqueue_indirect_dma source(%arg8 : memref<80x128xf32, #tpu.memory_space<vmem>>) target(%dma_start3A_47 : memref<10240x128xf32, #tpu.memory_space<vmem_shared>>) offsets(%dma_start3A_44 : memref<80xi32, #tpu.memory_space<vmem>>) semaphore(%arg12 : memref<!tpu.dma_semaphore, #tpu.memory_space<semaphore_mem>>) {add = true}
      %dma_wait3A_48 = arith.constant 0 : i32
      %dma_wait3A_49 = tpu.memref_slice %arg2[%mul3A_4, %dma_wait3A_48] : memref<158720x128xf32, #tpu.memory_space<hbm>> -> memref<80x128xf32, #tpu.memory_space<hbm>>
      %dma_wait3A_50 = arith.constant 0 : i32
      %dma_wait3A_51 = tpu.memref_slice %arg2[%mul3A_4, %dma_wait3A_50] : memref<158720x128xf32, #tpu.memory_space<hbm>> -> memref<80x128xf32, #tpu.memory_space<hbm>>
      tpu.wait_dma2 semaphore(%arg11 : memref<!tpu.dma_semaphore, #tpu.memory_space<semaphore_mem>>) src(%dma_wait3A_51 : memref<80x128xf32, #tpu.memory_space<hbm>>) dst(%arg9 : memref<80x128xf32, #tpu.memory_space<vmem>>)
      %dma_start3A_52 = arith.constant 0 : i32
      %dma_start3A_53 = tpu.memref_slice %arg7[%add3A_37, %dma_start3A_52] : memref<62x80xi32, #tpu.memory_space<vmem>> -> memref<1x80xi32, #tpu.memory_space<vmem>>
      %dma_start3A_54 = tpu.memref_squeeze %dma_start3A_53 : memref<1x80xi32, #tpu.memory_space<vmem>> -> memref<80xi32, #tpu.memory_space<vmem>>
      %dma_start3A_55 = arith.constant 0 : i32
      %dma_start3A_56 = arith.constant 0 : i32
      %dma_start3A_57 = tpu.memref_slice %arg6[%dma_start3A_55, %dma_start3A_56] : memref<10240x128xf32, #tpu.memory_space<vmem_shared>> -> memref<10240x128xf32, #tpu.memory_space<vmem_shared>>
      tpu.enqueue_indirect_dma source(%arg9 : memref<80x128xf32, #tpu.memory_space<vmem>>) target(%dma_start3A_57 : memref<10240x128xf32, #tpu.memory_space<vmem_shared>>) offsets(%dma_start3A_54 : memref<80xi32, #tpu.memory_space<vmem>>) semaphore(%arg13 : memref<!tpu.dma_semaphore, #tpu.memory_space<semaphore_mem>>) {add = true}
      %dma_wait3A_58 = arith.constant 0 : i32
      %dma_wait3A_59 = tpu.memref_slice %arg7[%mul3A_35, %dma_wait3A_58] : memref<62x80xi32, #tpu.memory_space<vmem>> -> memref<1x80xi32, #tpu.memory_space<vmem>>
      %dma_wait3A_60 = tpu.memref_squeeze %dma_wait3A_59 : memref<1x80xi32, #tpu.memory_space<vmem>> -> memref<80xi32, #tpu.memory_space<vmem>>
      %dma_wait3A_61 = arith.constant 0 : i32
      %dma_wait3A_62 = arith.constant 0 : i32
      %dma_wait3A_63 = tpu.memref_slice %arg6[%dma_wait3A_61, %dma_wait3A_62] : memref<10240x128xf32, #tpu.memory_space<vmem_shared>> -> memref<10240x128xf32, #tpu.memory_space<vmem_shared>>
      tpu.wait_indirect_dma semaphore(%arg12 : memref<!tpu.dma_semaphore, #tpu.memory_space<semaphore_mem>>) src(%arg8 : memref<80x128xf32, #tpu.memory_space<vmem>>) dst(%dma_wait3A_63 : memref<10240x128xf32, #tpu.memory_space<vmem_shared>>)
      %add3A_64 = arith.constant 2 : i32
      %add3A_65 = arith.addi %mul3A_35, %add3A_64 : i32
      %mul3A_66 = arith.constant 80 : i32
      %mul3A_67 = arith.muli %add3A_65, %mul3A_66 : i32
      %add3A_68 = arith.addi %mul3A_4, %mul3A_67 : i32
      %dma_start3A_69 = arith.constant 0 : i32
      %dma_start3A_70 = tpu.memref_slice %arg2[%add3A_68, %dma_start3A_69] : memref<158720x128xf32, #tpu.memory_space<hbm>> -> memref<80x128xf32, #tpu.memory_space<hbm>>
      %dma_start3A_71 = arith.constant 0 : i32
      %dma_start3A_72 = tpu.memref_slice %arg2[%add3A_68, %dma_start3A_71] : memref<158720x128xf32, #tpu.memory_space<hbm>> -> memref<80x128xf32, #tpu.memory_space<hbm>>
      tpu.enqueue_dma source(%dma_start3A_72 : memref<80x128xf32, #tpu.memory_space<hbm>>) target(%arg8 : memref<80x128xf32, #tpu.memory_space<vmem>>) target_semaphore(%arg10 : memref<!tpu.dma_semaphore, #tpu.memory_space<semaphore_mem>>)
      %add3A_73 = arith.constant 2 : i32
      %add3A_74 = arith.addi %add3A_37, %add3A_73 : i32
      %lt3A = arith.constant 62 : i32
      %lt3A_75 = arith.cmpi slt, %add3A_74, %lt3A : i32
      %convert_element_type3A = arith.extui %lt3A_75 : i1 to i32
      %cond3A = arith.constant 0 : i32
      %cond3A_76 = arith.cmpi ne, %convert_element_type3A, %cond3A : i32
      scf.if %cond3A_76 {
        %dma_wait3A_77 = arith.constant 0 : i32
        %dma_wait3A_78 = tpu.memref_slice %arg7[%add3A_37, %dma_wait3A_77] : memref<62x80xi32, #tpu.memory_space<vmem>> -> memref<1x80xi32, #tpu.memory_space<vmem>>
        %dma_wait3A_79 = tpu.memref_squeeze %dma_wait3A_78 : memref<1x80xi32, #tpu.memory_space<vmem>> -> memref<80xi32, #tpu.memory_space<vmem>>
        %dma_wait3A_80 = arith.constant 0 : i32
        %dma_wait3A_81 = arith.constant 0 : i32
        %dma_wait3A_82 = tpu.memref_slice %arg6[%dma_wait3A_80, %dma_wait3A_81] : memref<10240x128xf32, #tpu.memory_space<vmem_shared>> -> memref<10240x128xf32, #tpu.memory_space<vmem_shared>>
        tpu.wait_indirect_dma semaphore(%arg13 : memref<!tpu.dma_semaphore, #tpu.memory_space<semaphore_mem>>) src(%arg9 : memref<80x128xf32, #tpu.memory_space<vmem>>) dst(%dma_wait3A_82 : memref<10240x128xf32, #tpu.memory_space<vmem_shared>>)
        %add3A_83 = arith.constant 2 : i32
        %add3A_84 = arith.addi %add3A_37, %add3A_83 : i32
        %mul3A_85 = arith.constant 80 : i32
        %mul3A_86 = arith.muli %add3A_84, %mul3A_85 : i32
        %add3A_87 = arith.addi %mul3A_4, %mul3A_86 : i32
        %dma_start3A_88 = arith.constant 0 : i32
        %dma_start3A_89 = tpu.memref_slice %arg2[%add3A_87, %dma_start3A_88] : memref<158720x128xf32, #tpu.memory_space<hbm>> -> memref<80x128xf32, #tpu.memory_space<hbm>>
        %dma_start3A_90 = arith.constant 0 : i32
        %dma_start3A_91 = tpu.memref_slice %arg2[%add3A_87, %dma_start3A_90] : memref<158720x128xf32, #tpu.memory_space<hbm>> -> memref<80x128xf32, #tpu.memory_space<hbm>>
        tpu.enqueue_dma source(%dma_start3A_91 : memref<80x128xf32, #tpu.memory_space<hbm>>) target(%arg9 : memref<80x128xf32, #tpu.memory_space<vmem>>) target_semaphore(%arg11 : memref<!tpu.dma_semaphore, #tpu.memory_space<semaphore_mem>>)
      } else {
      }
    }
    %scan3A_20 = arith.constant 30 : i32
    %dma_wait3A = arith.constant 0 : i32
    %dma_wait3A_21 = tpu.memref_slice %arg2[%mul3A_4, %dma_wait3A] : memref<158720x128xf32, #tpu.memory_space<hbm>> -> memref<80x128xf32, #tpu.memory_space<hbm>>
    %dma_wait3A_22 = arith.constant 0 : i32
    %dma_wait3A_23 = tpu.memref_slice %arg2[%mul3A_4, %dma_wait3A_22] : memref<158720x128xf32, #tpu.memory_space<hbm>> -> memref<80x128xf32, #tpu.memory_space<hbm>>
    tpu.wait_dma2 semaphore(%arg10 : memref<!tpu.dma_semaphore, #tpu.memory_space<semaphore_mem>>) src(%dma_wait3A_23 : memref<80x128xf32, #tpu.memory_space<hbm>>) dst(%arg8 : memref<80x128xf32, #tpu.memory_space<vmem>>)
    %run_scoped3A = arith.constant 60 : i32
    "tpu.region"() ({
      %run_scoped3A_33 = tpu.sem_alloc : memref<!tpu.dma_semaphore, #tpu.memory_space<semaphore_mem>>
      %dma_start3A_34 = arith.constant 0 : i32
      %dma_start3A_35 = tpu.memref_slice %arg7[%run_scoped3A, %dma_start3A_34] : memref<62x80xi32, #tpu.memory_space<vmem>> -> memref<1x80xi32, #tpu.memory_space<vmem>>
      %dma_start3A_36 = tpu.memref_squeeze %dma_start3A_35 : memref<1x80xi32, #tpu.memory_space<vmem>> -> memref<80xi32, #tpu.memory_space<vmem>>
      %dma_start3A_37 = arith.constant 0 : i32
      %dma_start3A_38 = arith.constant 0 : i32
      %dma_start3A_39 = tpu.memref_slice %arg6[%dma_start3A_37, %dma_start3A_38] : memref<10240x128xf32, #tpu.memory_space<vmem_shared>> -> memref<10240x128xf32, #tpu.memory_space<vmem_shared>>
      tpu.enqueue_indirect_dma source(%arg8 : memref<80x128xf32, #tpu.memory_space<vmem>>) target(%dma_start3A_39 : memref<10240x128xf32, #tpu.memory_space<vmem_shared>>) offsets(%dma_start3A_36 : memref<80xi32, #tpu.memory_space<vmem>>) semaphore(%run_scoped3A_33 : memref<!tpu.dma_semaphore, #tpu.memory_space<semaphore_mem>>) {add = true}
      %dma_wait3A_40 = arith.constant 0 : i32
      %dma_wait3A_41 = tpu.memref_slice %arg7[%run_scoped3A, %dma_wait3A_40] : memref<62x80xi32, #tpu.memory_space<vmem>> -> memref<1x80xi32, #tpu.memory_space<vmem>>
      %dma_wait3A_42 = tpu.memref_squeeze %dma_wait3A_41 : memref<1x80xi32, #tpu.memory_space<vmem>> -> memref<80xi32, #tpu.memory_space<vmem>>
      %dma_wait3A_43 = arith.constant 0 : i32
      %dma_wait3A_44 = arith.constant 0 : i32
      %dma_wait3A_45 = tpu.memref_slice %arg6[%dma_wait3A_43, %dma_wait3A_44] : memref<10240x128xf32, #tpu.memory_space<vmem_shared>> -> memref<10240x128xf32, #tpu.memory_space<vmem_shared>>
      tpu.wait_indirect_dma semaphore(%run_scoped3A_33 : memref<!tpu.dma_semaphore, #tpu.memory_space<semaphore_mem>>) src(%arg8 : memref<80x128xf32, #tpu.memory_space<vmem>>) dst(%dma_wait3A_45 : memref<10240x128xf32, #tpu.memory_space<vmem_shared>>)
      tpu.yield
    }) : () -> ()
    %dma_wait3A_24 = arith.constant 0 : i32
    %dma_wait3A_25 = tpu.memref_slice %arg2[%mul3A_4, %dma_wait3A_24] : memref<158720x128xf32, #tpu.memory_space<hbm>> -> memref<80x128xf32, #tpu.memory_space<hbm>>
    %dma_wait3A_26 = arith.constant 0 : i32
    %dma_wait3A_27 = tpu.memref_slice %arg2[%mul3A_4, %dma_wait3A_26] : memref<158720x128xf32, #tpu.memory_space<hbm>> -> memref<80x128xf32, #tpu.memory_space<hbm>>
    tpu.wait_dma2 semaphore(%arg11 : memref<!tpu.dma_semaphore, #tpu.memory_space<semaphore_mem>>) src(%dma_wait3A_27 : memref<80x128xf32, #tpu.memory_space<hbm>>) dst(%arg9 : memref<80x128xf32, #tpu.memory_space<vmem>>)
    %run_scoped3A_28 = arith.constant 61 : i32
    "tpu.region"() ({
      %run_scoped3A_33 = tpu.sem_alloc : memref<!tpu.dma_semaphore, #tpu.memory_space<semaphore_mem>>
      %dma_start3A_34 = arith.constant 0 : i32
      %dma_start3A_35 = tpu.memref_slice %arg7[%run_scoped3A_28, %dma_start3A_34] : memref<62x80xi32, #tpu.memory_space<vmem>> -> memref<1x80xi32, #tpu.memory_space<vmem>>
      %dma_start3A_36 = tpu.memref_squeeze %dma_start3A_35 : memref<1x80xi32, #tpu.memory_space<vmem>> -> memref<80xi32, #tpu.memory_space<vmem>>
      %dma_start3A_37 = arith.constant 0 : i32
      %dma_start3A_38 = arith.constant 0 : i32
      %dma_start3A_39 = tpu.memref_slice %arg6[%dma_start3A_37, %dma_start3A_38] : memref<10240x128xf32, #tpu.memory_space<vmem_shared>> -> memref<10240x128xf32, #tpu.memory_space<vmem_shared>>
      tpu.enqueue_indirect_dma source(%arg9 : memref<80x128xf32, #tpu.memory_space<vmem>>) target(%dma_start3A_39 : memref<10240x128xf32, #tpu.memory_space<vmem_shared>>) offsets(%dma_start3A_36 : memref<80xi32, #tpu.memory_space<vmem>>) semaphore(%run_scoped3A_33 : memref<!tpu.dma_semaphore, #tpu.memory_space<semaphore_mem>>) {add = true}
      %dma_wait3A_40 = arith.constant 0 : i32
      %dma_wait3A_41 = tpu.memref_slice %arg7[%run_scoped3A_28, %dma_wait3A_40] : memref<62x80xi32, #tpu.memory_space<vmem>> -> memref<1x80xi32, #tpu.memory_space<vmem>>
      %dma_wait3A_42 = tpu.memref_squeeze %dma_wait3A_41 : memref<1x80xi32, #tpu.memory_space<vmem>> -> memref<80xi32, #tpu.memory_space<vmem>>
      %dma_wait3A_43 = arith.constant 0 : i32
      %dma_wait3A_44 = arith.constant 0 : i32
      %dma_wait3A_45 = tpu.memref_slice %arg6[%dma_wait3A_43, %dma_wait3A_44] : memref<10240x128xf32, #tpu.memory_space<vmem_shared>> -> memref<10240x128xf32, #tpu.memory_space<vmem_shared>>
      tpu.wait_indirect_dma semaphore(%run_scoped3A_33 : memref<!tpu.dma_semaphore, #tpu.memory_space<semaphore_mem>>) src(%arg9 : memref<80x128xf32, #tpu.memory_space<vmem>>) dst(%dma_wait3A_45 : memref<10240x128xf32, #tpu.memory_space<vmem_shared>>)
      tpu.yield
    }) : () -> ()
    %barrier3A_29 = arith.constant 0 : index
    tpu.barrier barrier_id(%barrier3A_29)
    %mul3A_30 = arith.constant 10240 : i32
    %mul3A_31 = arith.muli %arg0, %mul3A_30 : i32
    %add3A_32 = arith.addi %mul3A_31, %mul3A_2 : i32
    "tpu.region"() ({
      %run_scoped3A_33 = tpu.sem_alloc : memref<!tpu.dma_semaphore, #tpu.memory_space<semaphore_mem>>
      %dma_start3A_34 = arith.constant 0 : i32
      %dma_start3A_35 = tpu.memref_slice %arg5[%add3A_32, %dma_start3A_34] : memref<20480x128xf32, #tpu.memory_space<hbm>> -> memref<640x128xf32, #tpu.memory_space<hbm>>
      %dma_start3A_36 = arith.constant 0 : i32
      %dma_start3A_37 = tpu.memref_slice %arg6[%mul3A_2, %dma_start3A_36] : memref<10240x128xf32, #tpu.memory_space<vmem_shared>> -> memref<640x128xf32, #tpu.memory_space<vmem_shared>>
      tpu.enqueue_dma source(%dma_start3A_37 : memref<640x128xf32, #tpu.memory_space<vmem_shared>>) target(%dma_start3A_35 : memref<640x128xf32, #tpu.memory_space<hbm>>) target_semaphore(%run_scoped3A_33 : memref<!tpu.dma_semaphore, #tpu.memory_space<semaphore_mem>>)
      %dma_wait3A_38 = arith.constant 0 : i32
      %dma_wait3A_39 = tpu.memref_slice %arg5[%add3A_32, %dma_wait3A_38] : memref<20480x128xf32, #tpu.memory_space<hbm>> -> memref<640x128xf32, #tpu.memory_space<hbm>>
      %dma_wait3A_40 = arith.constant 0 : i32
      %dma_wait3A_41 = tpu.memref_slice %arg6[%mul3A_2, %dma_wait3A_40] : memref<10240x128xf32, #tpu.memory_space<vmem_shared>> -> memref<640x128xf32, #tpu.memory_space<vmem_shared>>
      tpu.wait_dma2 semaphore(%run_scoped3A_33 : memref<!tpu.dma_semaphore, #tpu.memory_space<semaphore_mem>>) src(%dma_wait3A_41 : memref<640x128xf32, #tpu.memory_space<vmem_shared>>) dst(%dma_wait3A_39 : memref<640x128xf32, #tpu.memory_space<hbm>>)
      tpu.yield
    }) : () -> ()
    return
  }
}

module attributes {stable_mosaic.version = 14 : i64} {
  func.func @_msg_body(%arg0: i32, %arg1: memref<64x2560xf32, #tpu.memory_space<vmem>>, %arg2: memref<1x1x2560xf32, #tpu.memory_space<vmem>>, %arg3: memref<1x1x2560xi32, #tpu.memory_space<vmem>>, %arg4: memref<128x64xf32, #tpu.memory_space<vmem>>, %arg5: memref<128x1xf32, #tpu.memory_space<vmem>>, %arg6: memref<128x128xf32, #tpu.memory_space<vmem>>, %arg7: memref<2560x128xf32, #tpu.memory_space<vmem>>) attributes {dimension_semantics = [#tpu.dimension_semantics<arbitrary>], iteration_bounds = array<i64: 63>, scalar_prefetch = 0 : i64, scratch_operands = 0 : i64, tpu.core_type = #tpu.core_type<tc>, window_params = [{transform_indices = @transform_0, window_bounds = array<i64: 64, 2560>}, {transform_indices = @transform_1, window_bounds = array<i64: 1, 1, 2560>}, {transform_indices = @transform_2, window_bounds = array<i64: 1, 1, 2560>}, {pipeline_mode = #tpu.pipeline_mode<synchronous>, transform_indices = @transform_3, window_bounds = array<i64: 128, 64>}, {pipeline_mode = #tpu.pipeline_mode<synchronous>, transform_indices = @transform_4, window_bounds = array<i64: 128, 1>}, {pipeline_mode = #tpu.pipeline_mode<synchronous>, transform_indices = @transform_5, window_bounds = array<i64: 128, 128>}, {transform_indices = @transform_6, window_bounds = array<i64: 2560, 128>}]} {
    %get3A = arith.constant 0 : index
    %get3A_0 = arith.constant 0 : index
    %get3A_1 = vector.load %arg4[%get3A, %get3A_0] : memref<128x64xf32, #tpu.memory_space<vmem>>, vector<128x64xf32>
    %get3A_2 = arith.constant 0 : index
    %get3A_3 = arith.constant 0 : index
    %get3A_4 = vector.load %arg1[%get3A_2, %get3A_3] : memref<64x2560xf32, #tpu.memory_space<vmem>>, vector<64x2560xf32>
    %dot_general3A = arith.constant dense<0.000000e+00> : vector<128x2560xf32>
    %dot_general3A_5 = tpu.matmul %get3A_1, %get3A_4, %dot_general3A {dimension_numbers = #tpu.dot_dimension_numbers<[1], [0], [0], [1], [0, 0, 1, 1], [], []>, transpose_lhs_hint = false} : vector<128x64xf32>, vector<64x2560xf32>, vector<128x2560xf32> -> vector<128x2560xf32>
    %get3A_6 = arith.constant 0 : index
    %get3A_7 = arith.constant 0 : index
    %get3A_8 = arith.constant 0 : index
    %get3A_9 = vector.load %arg2[%get3A_6, %get3A_7, %get3A_8] : memref<1x1x2560xf32, #tpu.memory_space<vmem>>, vector<1x1x2560xf32>
    %get3A_10 = vector.shape_cast %get3A_9 : vector<1x1x2560xf32> to vector<1x2560xf32>
    %lt3A = arith.constant 5.000000e+00 : f32
    %lt3A_11 = vector.broadcast %lt3A : f32 to vector<1x2560xf32>
    %lt3A_12 = arith.cmpf olt, %get3A_10, %lt3A_11 : vector<1x2560xf32>
    %mul3A = arith.constant 0.628318548 : f32
    %mul3A_13 = vector.broadcast %mul3A : f32 to vector<1x2560xf32>
    %mul3A_14 = arith.mulf %get3A_10, %mul3A_13 : vector<1x2560xf32>
    %cos3A = math.cos %mul3A_14 : vector<1x2560xf32>
    %add3A = arith.constant 1.000000e+00 : f32
    %add3A_15 = vector.broadcast %add3A : f32 to vector<1x2560xf32>
    %add3A_16 = arith.addf %cos3A, %add3A_15 : vector<1x2560xf32>
    %mul3A_17 = arith.constant 5.000000e-01 : f32
    %mul3A_18 = vector.broadcast %mul3A_17 : f32 to vector<1x2560xf32>
    %mul3A_19 = arith.mulf %mul3A_18, %add3A_16 : vector<1x2560xf32>
    %jit3A = arith.constant 0.000000e+00 : f32
    %broadcast_in_dim3A = vector.broadcast %jit3A : f32 to vector<1x2560xf32>
    %select_n3A = arith.select %lt3A_12, %mul3A_19, %broadcast_in_dim3A : vector<1x2560xi1>, vector<1x2560xf32>
    %get3A_20 = arith.constant 0 : index
    %get3A_21 = arith.constant 0 : index
    %get3A_22 = arith.constant 0 : index
    %get3A_23 = vector.load %arg3[%get3A_20, %get3A_21, %get3A_22] : memref<1x1x2560xi32, #tpu.memory_space<vmem>>, vector<1x1x2560xi32>
    %get3A_24 = vector.shape_cast %get3A_23 : vector<1x1x2560xi32> to vector<1x2560xi32>
    %iota3A = tpu.iota {dimensions = array<i32: 0>} : vector<128x2560xi32>
    %eq3A = vector.broadcast %get3A_24 : vector<1x2560xi32> to vector<128x2560xi32>
    %eq3A_25 = arith.cmpi eq, %iota3A, %eq3A : vector<128x2560xi32>
    %jit3A_26 = arith.constant 0.000000e+00 : f32
    %broadcast_in_dim3A_27 = vector.shape_cast %select_n3A : vector<1x2560xf32> to vector<1x2560xf32>
    %broadcast_in_dim3A_28 = vector.broadcast %broadcast_in_dim3A_27 : vector<1x2560xf32> to vector<128x2560xf32>
    %broadcast_in_dim3A_29 = vector.broadcast %jit3A_26 : f32 to vector<128x2560xf32>
    %select_n3A_30 = arith.select %eq3A_25, %broadcast_in_dim3A_28, %broadcast_in_dim3A_29 : vector<128x2560xi1>, vector<128x2560xf32>
    %get3A_31 = arith.constant 0 : index
    %get3A_32 = arith.constant 0 : index
    %get3A_33 = vector.load %arg6[%get3A_31, %get3A_32] : memref<128x128xf32, #tpu.memory_space<vmem>>, vector<128x128xf32>
    %dot_general3A_34 = arith.constant dense<0.000000e+00> : vector<128x2560xf32>
    %dot_general3A_35 = tpu.matmul %get3A_33, %select_n3A_30, %dot_general3A_34 {dimension_numbers = #tpu.dot_dimension_numbers<[1], [0], [0], [1], [0, 0, 1, 1], [], []>, transpose_lhs_hint = false} : vector<128x128xf32>, vector<128x2560xf32>, vector<128x2560xf32> -> vector<128x2560xf32>
    %get3A_36 = arith.constant 0 : index
    %get3A_37 = arith.constant 0 : index
    %get3A_38 = vector.load %arg5[%get3A_36, %get3A_37] : memref<128x1xf32, #tpu.memory_space<vmem>>, vector<128x1xf32>
    %add3A_39 = vector.broadcast %get3A_38 : vector<128x1xf32> to vector<128x2560xf32>
    %add3A_40 = arith.addf %dot_general3A_5, %add3A_39 : vector<128x2560xf32>
    %mul3A_41 = arith.mulf %add3A_40, %dot_general3A_35 : vector<128x2560xf32>
    %transpose3A = tpu.transpose %mul3A_41, [1, 0] : vector<128x2560xf32> -> vector<2560x128xf32>
    %swap3A = arith.constant 0 : index
    %swap3A_42 = arith.constant 0 : index
    %swap3A_43 = vector.load %arg7[%swap3A, %swap3A_42] : memref<2560x128xf32, #tpu.memory_space<vmem>>, vector<2560x128xf32>
    tpu.vector_store %arg7[%swap3A, %swap3A_42], %transpose3A {strides = array<i32>} : memref<2560x128xf32, #tpu.memory_space<vmem>>, vector<2560x128xf32>,
    return
  }
  func.func @transform_0(%arg0: i32) -> (i32, i32) {
    %add3A = arith.constant 0 : i32
    %add3A_0 = arith.addi %arg0, %add3A : i32
    %c0_i32 = arith.constant 0 : i32
    %c0_i32_1 = arith.constant 0 : i32
    return %c0_i32, %add3A_0 : i32, i32
  }
  func.func @transform_1(%arg0: i32) -> (i32, i32, i32) {
    %add3A = arith.constant 0 : i32
    %add3A_0 = arith.addi %arg0, %add3A : i32
    %c0_i32 = arith.constant 0 : i32
    %c0_i32_1 = arith.constant 0 : i32
    %c0_i32_2 = arith.constant 0 : i32
    return %add3A_0, %c0_i32, %c0_i32_1 : i32, i32, i32
  }
  func.func @transform_2(%arg0: i32) -> (i32, i32, i32) {
    %add3A = arith.constant 0 : i32
    %add3A_0 = arith.addi %arg0, %add3A : i32
    %c0_i32 = arith.constant 0 : i32
    %c0_i32_1 = arith.constant 0 : i32
    %c0_i32_2 = arith.constant 0 : i32
    return %add3A_0, %c0_i32, %c0_i32_1 : i32, i32, i32
  }
  func.func @transform_3(%arg0: i32) -> (i32, i32) {
    %c0_i32 = arith.constant 0 : i32
    %c0_i32_0 = arith.constant 0 : i32
    %c0_i32_1 = arith.constant 0 : i32
    return %c0_i32, %c0_i32_0 : i32, i32
  }
  func.func @transform_4(%arg0: i32) -> (i32, i32) {
    %c0_i32 = arith.constant 0 : i32
    %c0_i32_0 = arith.constant 0 : i32
    %c0_i32_1 = arith.constant 0 : i32
    return %c0_i32, %c0_i32_0 : i32, i32
  }
  func.func @transform_5(%arg0: i32) -> (i32, i32) {
    %c0_i32 = arith.constant 0 : i32
    %c0_i32_0 = arith.constant 0 : i32
    %c0_i32_1 = arith.constant 0 : i32
    return %c0_i32, %c0_i32_0 : i32, i32
  }
  func.func @transform_6(%arg0: i32) -> (i32, i32) {
    %c0_i32 = arith.constant 0 : i32
    %c0_i32_0 = arith.constant 0 : i32
    return %arg0, %c0_i32 : i32, i32
  }
}

module attributes {stable_mosaic.version = 14 : i64} {
  func.func @_msg_body(%arg0: i32, %arg1: memref<64x2560xf32, #tpu.memory_space<vmem>>, %arg2: memref<1x1x2560xf32, #tpu.memory_space<vmem>>, %arg3: memref<1x1x2560xi32, #tpu.memory_space<vmem>>, %arg4: memref<128x64xf32, #tpu.memory_space<vmem>>, %arg5: memref<128x1xf32, #tpu.memory_space<vmem>>, %arg6: memref<128x128xf32, #tpu.memory_space<vmem>>, %arg7: memref<2560x128xf32, #tpu.memory_space<vmem>>) attributes {dimension_semantics = [#tpu.dimension_semantics<arbitrary>], iteration_bounds = array<i64: 62>, scalar_prefetch = 0 : i64, scratch_operands = 0 : i64, tpu.core_type = #tpu.core_type<tc>, window_params = [{transform_indices = @transform_0, window_bounds = array<i64: 64, 2560>}, {transform_indices = @transform_1, window_bounds = array<i64: 1, 1, 2560>}, {transform_indices = @transform_2, window_bounds = array<i64: 1, 1, 2560>}, {pipeline_mode = #tpu.pipeline_mode<synchronous>, transform_indices = @transform_3, window_bounds = array<i64: 128, 64>}, {pipeline_mode = #tpu.pipeline_mode<synchronous>, transform_indices = @transform_4, window_bounds = array<i64: 128, 1>}, {pipeline_mode = #tpu.pipeline_mode<synchronous>, transform_indices = @transform_5, window_bounds = array<i64: 128, 128>}, {transform_indices = @transform_6, window_bounds = array<i64: 2560, 128>}]} {
    %get3A = arith.constant 0 : index
    %get3A_0 = arith.constant 0 : index
    %get3A_1 = vector.load %arg4[%get3A, %get3A_0] : memref<128x64xf32, #tpu.memory_space<vmem>>, vector<128x64xf32>
    %get3A_2 = arith.constant 0 : index
    %get3A_3 = arith.constant 0 : index
    %get3A_4 = vector.load %arg1[%get3A_2, %get3A_3] : memref<64x2560xf32, #tpu.memory_space<vmem>>, vector<64x2560xf32>
    %dot_general3A = arith.constant dense<0.000000e+00> : vector<128x2560xf32>
    %dot_general3A_5 = tpu.matmul %get3A_1, %get3A_4, %dot_general3A {dimension_numbers = #tpu.dot_dimension_numbers<[1], [0], [0], [1], [0, 0, 1, 1], [], []>, transpose_lhs_hint = false} : vector<128x64xf32>, vector<64x2560xf32>, vector<128x2560xf32> -> vector<128x2560xf32>
    %get3A_6 = arith.constant 0 : index
    %get3A_7 = arith.constant 0 : index
    %get3A_8 = arith.constant 0 : index
    %get3A_9 = vector.load %arg2[%get3A_6, %get3A_7, %get3A_8] : memref<1x1x2560xf32, #tpu.memory_space<vmem>>, vector<1x1x2560xf32>
    %get3A_10 = vector.shape_cast %get3A_9 : vector<1x1x2560xf32> to vector<1x2560xf32>
    %lt3A = arith.constant 5.000000e+00 : f32
    %lt3A_11 = vector.broadcast %lt3A : f32 to vector<1x2560xf32>
    %lt3A_12 = arith.cmpf olt, %get3A_10, %lt3A_11 : vector<1x2560xf32>
    %mul3A = arith.constant 0.628318548 : f32
    %mul3A_13 = vector.broadcast %mul3A : f32 to vector<1x2560xf32>
    %mul3A_14 = arith.mulf %get3A_10, %mul3A_13 : vector<1x2560xf32>
    %cos3A = math.cos %mul3A_14 : vector<1x2560xf32>
    %add3A = arith.constant 1.000000e+00 : f32
    %add3A_15 = vector.broadcast %add3A : f32 to vector<1x2560xf32>
    %add3A_16 = arith.addf %cos3A, %add3A_15 : vector<1x2560xf32>
    %mul3A_17 = arith.constant 5.000000e-01 : f32
    %mul3A_18 = vector.broadcast %mul3A_17 : f32 to vector<1x2560xf32>
    %mul3A_19 = arith.mulf %mul3A_18, %add3A_16 : vector<1x2560xf32>
    %jit3A = arith.constant 0.000000e+00 : f32
    %broadcast_in_dim3A = vector.broadcast %jit3A : f32 to vector<1x2560xf32>
    %select_n3A = arith.select %lt3A_12, %mul3A_19, %broadcast_in_dim3A : vector<1x2560xi1>, vector<1x2560xf32>
    %get3A_20 = arith.constant 0 : index
    %get3A_21 = arith.constant 0 : index
    %get3A_22 = arith.constant 0 : index
    %get3A_23 = vector.load %arg3[%get3A_20, %get3A_21, %get3A_22] : memref<1x1x2560xi32, #tpu.memory_space<vmem>>, vector<1x1x2560xi32>
    %get3A_24 = vector.shape_cast %get3A_23 : vector<1x1x2560xi32> to vector<1x2560xi32>
    %iota3A = tpu.iota {dimensions = array<i32: 0>} : vector<128x2560xi32>
    %eq3A = vector.broadcast %get3A_24 : vector<1x2560xi32> to vector<128x2560xi32>
    %eq3A_25 = arith.cmpi eq, %iota3A, %eq3A : vector<128x2560xi32>
    %jit3A_26 = arith.constant 0.000000e+00 : f32
    %broadcast_in_dim3A_27 = vector.shape_cast %select_n3A : vector<1x2560xf32> to vector<1x2560xf32>
    %broadcast_in_dim3A_28 = vector.broadcast %broadcast_in_dim3A_27 : vector<1x2560xf32> to vector<128x2560xf32>
    %broadcast_in_dim3A_29 = vector.broadcast %jit3A_26 : f32 to vector<128x2560xf32>
    %select_n3A_30 = arith.select %eq3A_25, %broadcast_in_dim3A_28, %broadcast_in_dim3A_29 : vector<128x2560xi1>, vector<128x2560xf32>
    %get3A_31 = arith.constant 0 : index
    %get3A_32 = arith.constant 0 : index
    %get3A_33 = vector.load %arg6[%get3A_31, %get3A_32] : memref<128x128xf32, #tpu.memory_space<vmem>>, vector<128x128xf32>
    %dot_general3A_34 = arith.constant dense<0.000000e+00> : vector<128x2560xf32>
    %dot_general3A_35 = tpu.matmul %get3A_33, %select_n3A_30, %dot_general3A_34 {dimension_numbers = #tpu.dot_dimension_numbers<[1], [0], [0], [1], [0, 0, 1, 1], [], []>, transpose_lhs_hint = false} : vector<128x128xf32>, vector<128x2560xf32>, vector<128x2560xf32> -> vector<128x2560xf32>
    %get3A_36 = arith.constant 0 : index
    %get3A_37 = arith.constant 0 : index
    %get3A_38 = vector.load %arg5[%get3A_36, %get3A_37] : memref<128x1xf32, #tpu.memory_space<vmem>>, vector<128x1xf32>
    %add3A_39 = vector.broadcast %get3A_38 : vector<128x1xf32> to vector<128x2560xf32>
    %add3A_40 = arith.addf %dot_general3A_5, %add3A_39 : vector<128x2560xf32>
    %mul3A_41 = arith.mulf %add3A_40, %dot_general3A_35 : vector<128x2560xf32>
    %transpose3A = tpu.transpose %mul3A_41, [1, 0] : vector<128x2560xf32> -> vector<2560x128xf32>
    %swap3A = arith.constant 0 : index
    %swap3A_42 = arith.constant 0 : index
    %swap3A_43 = vector.load %arg7[%swap3A, %swap3A_42] : memref<2560x128xf32, #tpu.memory_space<vmem>>, vector<2560x128xf32>
    tpu.vector_store %arg7[%swap3A, %swap3A_42], %transpose3A {strides = array<i32>} : memref<2560x128xf32, #tpu.memory_space<vmem>>, vector<2560x128xf32>,
    return
  }
  func.func @transform_0(%arg0: i32) -> (i32, i32) {
    %add3A = arith.constant 63 : i32
    %add3A_0 = arith.addi %arg0, %add3A : i32
    %c0_i32 = arith.constant 0 : i32
    %c0_i32_1 = arith.constant 0 : i32
    return %c0_i32, %add3A_0 : i32, i32
  }
  func.func @transform_1(%arg0: i32) -> (i32, i32, i32) {
    %add3A = arith.constant 63 : i32
    %add3A_0 = arith.addi %arg0, %add3A : i32
    %c0_i32 = arith.constant 0 : i32
    %c0_i32_1 = arith.constant 0 : i32
    %c0_i32_2 = arith.constant 0 : i32
    return %add3A_0, %c0_i32, %c0_i32_1 : i32, i32, i32
  }
  func.func @transform_2(%arg0: i32) -> (i32, i32, i32) {
    %add3A = arith.constant 63 : i32
    %add3A_0 = arith.addi %arg0, %add3A : i32
    %c0_i32 = arith.constant 0 : i32
    %c0_i32_1 = arith.constant 0 : i32
    %c0_i32_2 = arith.constant 0 : i32
    return %add3A_0, %c0_i32, %c0_i32_1 : i32, i32, i32
  }
  func.func @transform_3(%arg0: i32) -> (i32, i32) {
    %c0_i32 = arith.constant 0 : i32
    %c0_i32_0 = arith.constant 0 : i32
    %c0_i32_1 = arith.constant 0 : i32
    return %c0_i32, %c0_i32_0 : i32, i32
  }
  func.func @transform_4(%arg0: i32) -> (i32, i32) {
    %c0_i32 = arith.constant 0 : i32
    %c0_i32_0 = arith.constant 0 : i32
    %c0_i32_1 = arith.constant 0 : i32
    return %c0_i32, %c0_i32_0 : i32, i32
  }
  func.func @transform_5(%arg0: i32) -> (i32, i32) {
    %c0_i32 = arith.constant 0 : i32
    %c0_i32_0 = arith.constant 0 : i32
    %c0_i32_1 = arith.constant 0 : i32
    return %c0_i32, %c0_i32_0 : i32, i32
  }
  func.func @transform_6(%arg0: i32) -> (i32, i32) {
    %c0_i32 = arith.constant 0 : i32
    %c0_i32_0 = arith.constant 0 : i32
    return %arg0, %c0_i32 : i32, i32
  }
}

module attributes {stable_mosaic.version = 14 : i64} {
  func.func @_out_body(%arg0: i32, %arg1: memref<80x128xf32, #tpu.memory_space<vmem>>, %arg2: memref<80x128xf32, #tpu.memory_space<vmem>>, %arg3: memref<80x128xf32, #tpu.memory_space<vmem>>, %arg4: memref<80x128xf32, #tpu.memory_space<vmem>>, %arg5: memref<80x128xf32, #tpu.memory_space<vmem>>, %arg6: memref<128x128xf32, #tpu.memory_space<vmem>>, %arg7: memref<128x128xf32, #tpu.memory_space<vmem>>, %arg8: memref<1x128xf32, #tpu.memory_space<vmem>>, %arg9: memref<80x128xf32, #tpu.memory_space<vmem>>) attributes {dimension_semantics = [#tpu.dimension_semantics<arbitrary>], iteration_bounds = array<i64: 125>, scalar_prefetch = 0 : i64, scratch_operands = 0 : i64, tpu.core_type = #tpu.core_type<tc>, window_params = [{transform_indices = @transform_0, window_bounds = array<i64: 80, 128>}, {transform_indices = @transform_1, window_bounds = array<i64: 80, 128>}, {transform_indices = @transform_2, window_bounds = array<i64: 80, 128>}, {transform_indices = @transform_3, window_bounds = array<i64: 80, 128>}, {transform_indices = @transform_4, window_bounds = array<i64: 80, 128>}, {pipeline_mode = #tpu.pipeline_mode<synchronous>, transform_indices = @transform_5, window_bounds = array<i64: 128, 128>}, {pipeline_mode = #tpu.pipeline_mode<synchronous>, transform_indices = @transform_6, window_bounds = array<i64: 128, 128>}, {pipeline_mode = #tpu.pipeline_mode<synchronous>, transform_indices = @transform_7, window_bounds = array<i64: 1, 128>}, {transform_indices = @transform_8, window_bounds = array<i64: 80, 128>}]} {
    %get3A = arith.constant 0 : index
    %get3A_0 = arith.constant 0 : index
    %get3A_1 = vector.load %arg2[%get3A, %get3A_0] : memref<80x128xf32, #tpu.memory_space<vmem>>, vector<80x128xf32>
    %get3A_2 = arith.constant 0 : index
    %get3A_3 = arith.constant 0 : index
    %get3A_4 = vector.load %arg3[%get3A_2, %get3A_3] : memref<80x128xf32, #tpu.memory_space<vmem>>, vector<80x128xf32>
    %add3A = arith.addf %get3A_1, %get3A_4 : vector<80x128xf32>
    %get3A_5 = arith.constant 0 : index
    %get3A_6 = arith.constant 0 : index
    %get3A_7 = vector.load %arg4[%get3A_5, %get3A_6] : memref<80x128xf32, #tpu.memory_space<vmem>>, vector<80x128xf32>
    %get3A_8 = arith.constant 0 : index
    %get3A_9 = arith.constant 0 : index
    %get3A_10 = vector.load %arg5[%get3A_8, %get3A_9] : memref<80x128xf32, #tpu.memory_space<vmem>>, vector<80x128xf32>
    %add3A_11 = arith.addf %get3A_7, %get3A_10 : vector<80x128xf32>
    %add3A_12 = arith.addf %add3A, %add3A_11 : vector<80x128xf32>
    %get3A_13 = arith.constant 0 : index
    %get3A_14 = arith.constant 0 : index
    %get3A_15 = vector.load %arg1[%get3A_13, %get3A_14] : memref<80x128xf32, #tpu.memory_space<vmem>>, vector<80x128xf32>
    %get3A_16 = arith.constant 0 : index
    %get3A_17 = arith.constant 0 : index
    %get3A_18 = vector.load %arg6[%get3A_16, %get3A_17] : memref<128x128xf32, #tpu.memory_space<vmem>>, vector<128x128xf32>
    %dot_general3A = arith.constant dense<0.000000e+00> : vector<80x128xf32>
    %dot_general3A_19 = tpu.matmul %get3A_15, %get3A_18, %dot_general3A {dimension_numbers = #tpu.dot_dimension_numbers<[1], [0], [0], [1], [0, 0, 1, 1], [], []>, transpose_lhs_hint = false} : vector<80x128xf32>, vector<128x128xf32>, vector<80x128xf32> -> vector<80x128xf32>
    %get3A_20 = arith.constant 0 : index
    %get3A_21 = arith.constant 0 : index
    %get3A_22 = vector.load %arg7[%get3A_20, %get3A_21] : memref<128x128xf32, #tpu.memory_space<vmem>>, vector<128x128xf32>
    %dot_general3A_23 = arith.constant dense<0.000000e+00> : vector<80x128xf32>
    %dot_general3A_24 = tpu.matmul %add3A_12, %get3A_22, %dot_general3A_23 {dimension_numbers = #tpu.dot_dimension_numbers<[1], [0], [0], [1], [0, 0, 1, 1], [], []>, transpose_lhs_hint = false} : vector<80x128xf32>, vector<128x128xf32>, vector<80x128xf32> -> vector<80x128xf32>
    %add3A_25 = arith.addf %dot_general3A_19, %dot_general3A_24 : vector<80x128xf32>
    %get3A_26 = arith.constant 0 : index
    %get3A_27 = arith.constant 0 : index
    %get3A_28 = vector.load %arg8[%get3A_26, %get3A_27] : memref<1x128xf32, #tpu.memory_space<vmem>>, vector<1x128xf32>
    %add3A_29 = vector.broadcast %get3A_28 : vector<1x128xf32> to vector<80x128xf32>
    %add3A_30 = arith.addf %add3A_25, %add3A_29 : vector<80x128xf32>
    %swap3A = arith.constant 0 : index
    %swap3A_31 = arith.constant 0 : index
    %swap3A_32 = vector.load %arg9[%swap3A, %swap3A_31] : memref<80x128xf32, #tpu.memory_space<vmem>>, vector<80x128xf32>
    tpu.vector_store %arg9[%swap3A, %swap3A_31], %add3A_30 {strides = array<i32>} : memref<80x128xf32, #tpu.memory_space<vmem>>, vector<80x128xf32>,
    return
  }
  func.func @transform_0(%arg0: i32) -> (i32, i32) {
    %c0_i32 = arith.constant 0 : i32
    %c0_i32_0 = arith.constant 0 : i32
    return %arg0, %c0_i32 : i32, i32
  }
  func.func @transform_1(%arg0: i32) -> (i32, i32) {
    %c0_i32 = arith.constant 0 : i32
    %c0_i32_0 = arith.constant 0 : i32
    return %arg0, %c0_i32 : i32, i32
  }
  func.func @transform_2(%arg0: i32) -> (i32, i32) {
    %add3A = arith.constant 128 : i32
    %add3A_0 = arith.addi %arg0, %add3A : i32
    %c0_i32 = arith.constant 0 : i32
    %c0_i32_1 = arith.constant 0 : i32
    return %add3A_0, %c0_i32 : i32, i32
  }
  func.func @transform_3(%arg0: i32) -> (i32, i32) {
    %c0_i32 = arith.constant 0 : i32
    %c0_i32_0 = arith.constant 0 : i32
    return %arg0, %c0_i32 : i32, i32
  }
  func.func @transform_4(%arg0: i32) -> (i32, i32) {
    %add3A = arith.constant 128 : i32
    %add3A_0 = arith.addi %arg0, %add3A : i32
    %c0_i32 = arith.constant 0 : i32
    %c0_i32_1 = arith.constant 0 : i32
    return %add3A_0, %c0_i32 : i32, i32
  }
  func.func @transform_5(%arg0: i32) -> (i32, i32) {
    %c0_i32 = arith.constant 0 : i32
    %c0_i32_0 = arith.constant 0 : i32
    %c0_i32_1 = arith.constant 0 : i32
    return %c0_i32, %c0_i32_0 : i32, i32
  }
  func.func @transform_6(%arg0: i32) -> (i32, i32) {
    %c0_i32 = arith.constant 0 : i32
    %c0_i32_0 = arith.constant 0 : i32
    %c0_i32_1 = arith.constant 0 : i32
    return %c0_i32, %c0_i32_0 : i32, i32
  }
  func.func @transform_7(%arg0: i32) -> (i32, i32) {
    %c0_i32 = arith.constant 0 : i32
    %c0_i32_0 = arith.constant 0 : i32
    %c0_i32_1 = arith.constant 0 : i32
    return %c0_i32, %c0_i32_0 : i32, i32
  }
  func.func @transform_8(%arg0: i32) -> (i32, i32) {
    %c0_i32 = arith.constant 0 : i32
    %c0_i32_0 = arith.constant 0 : i32
    return %arg0, %c0_i32 : i32, i32
  }
}

</mosaic_0001>

<sc_bundles>
// kernel: kernel.11.cloned.1.call-start
scs
__scs_entry_jumppad:
0x0: {  	(pc) =	sbr.rel $0x88, $3  }
0x1: {  	(tag) =	ssettag $0x0;
	lr =	simm.s32 $0x1  }
0x2: {  	[smem:$0x3F97] =	sst lr;
	_ =	strace $0xD0000000  }
0x3: {  	_ = 	snop  }
0x4: {  	_ = 	snop  }
0x5: {  	_ = 	snop  }
0x6: {  	_ = 	snop  }
0x7: {  	_ = 	snop  }
__scs_overlays_trampoline_lowered:
0x8: {  	[smem:$0x3FA6] =	sst s0  }
0x9: {  	[smem:$0x3FA7] =	sst s1  }
0xa: {  	[smem:$0x3FA8] =	sst s2  }
0xb: {  	[smem:$0x3FA9] =	sst s3  }
0xc: {  	[smem:$0x3FAA] =	sst s4  }
0xd: {  	[smem:$0x3FAB] =	sst s5  }
0xe: {  	[smem:$0x3FAC] =	sst s6  }
0xf: {  	[smem:$0x3FAD] =	sst s7  }
0x10: {  	[smem:$0x3FAE] =	sst s8  }
0x11: {  	[smem:$0x3FAF] =	sst s9;
	s0 =	simm.s32 @!p0 $0x0  }
0x12: {  	s1 =	sld [smem:$0x3F95];
	s0 =	simm.s32 @p0 $0x1  }
0x13: {  	[smem:$0x3FB0] =	sst s0;
	s0 =	simm.s32 @!p1 $0x0  }
0x14: {  	s2 =	sld [smem:$0x3F94];
	s0 =	simm.s32 @p1 $0x1  }
0x15: {  	[smem:$0x3FB1] =	sst s0;
	s0 =	simm.s32 @!p2 $0x0  }
0x16: {  	s3 =	sld [smem:$0x3FDB];
	s0 =	simm.s32 @p2 $0x1  }
0x17: {  	s4 =	simm.s32 $0x1BF5;
	[smem:$0x3FB3] =	sst s0  }
0x18: {  	s0 =	sld [smem:$0x3F96];
	_ =	swait.ge [sflag:s4], $0x0  }
0x19: {  	s7 =	sld [smem:$0x3F97]  }
0x1a: {  	s8 =	sadd.s32 $0xFFFFE003, lr  }
0x1b: {  	s9 =	sadd.s32 $0xFFFFFEF7, lr;
	s5 =	simm.s32 $0xFFFFFFFF;
	p2 =	slt.u32 s8, $0xFFFFF086  }
0x1c: {  	p1 =	slt.u32 s9, $0xF7A;
	s5 =	simm.s32 @!p2 $0x0  }
0x1d: {  	s5 =	simm.s32 @p1 $0x1;
	p0 =	seq.s32 s7, s2  }
0x1e: {  	s7 =	smul.u32 @!p0 $0xF7A, s2;
	p2 =	seq.s32 @!p0 s5, $0x0  }
0x1f: {  	s9 =	smul.u32 $0xF7A, s1;
	s8 =	simm.s32 @!p0 $0x1BF5;
	p2 =	por !p2, p0  }
0x20: {  	[sflag:s8] =	ssyncset.s32 @!p0 $0xFFFFF086;
	s6 =	sadd.s32 @!p0 s3, s7;
	s7 =	simm.s32 @!p0 $0x108  }
0x21: {  	s3 =	sadd.s32 s3, s9;
	s6 =	sadd.s32 @!p0 $0x88, s6;
	s7 =	simm.s32 @p2 $0x1082  }
0x22: {  	[simem:s7], [sflag:s8] =	dma.local @!p0 [hbm:s6], $0xF7A  }
0x23: {  	s9 =	sor.u32 $0xD0000000, s2;
	s6 =	simm.s32 $0x108;
	_ =	swait.ge @!p0 [sflag:s8], $0x0  }
0x24: {  	s3 =	sadd.s32 $0x88, s3;
	s6 =	simm.s32 @!p1 $0x1082;
	[sflag:s4] =	ssyncset.s32 $0xFFFFF086  }
0x25: {  	[simem:s6], [sflag:s4] =	dma.local [hbm:s3], $0xF7A  }
0x26: {  	[smem:$0x3F97] =	sst s1;
	(tag) =	ssettag s2;
	_ =	strace s9  }
0x27: {  	s1 =	sld [smem:$0x3FA7]  }
0x28: {  	s2 =	sld [smem:$0x3FA8]  }
0x29: {  	s4 =	sld [smem:$0x3FAA]  }
0x2a: {  	p0 =	seq.s32 s5, $0x0;
	s5 =	sld [smem:$0x3FAB]  }
0x2b: {  	s6 =	sld [smem:$0x3FAC]  }
0x2c: {  	s7 =	sld [smem:$0x3FAD]  }
0x2d: {  	s3 =	simm.s32 $0x108;
	s8 =	sld [smem:$0x3FAE]  }
0x2e: {  	s3 =	simm.s32 @!p0 $0x1082;
	s9 =	sld [smem:$0x3FAF]  }
0x2f: {  	lr =	sadd.s32 s0, s3;
	s0 =	sld [smem:$0x3FA6]  }
0x30: {  	s3 =	sld [smem:$0x3FA9]  }
0x31: {  	[smem:$0x3FB2] =	sst s10  }
0x32: {  	s10 =	sld [smem:$0x3FB0];
	_ =	sdelay $0x3  }
0x33: {  	p0 =	seq.s32 s10, $0x1;
	s10 =	sld [smem:$0x3FB2];
	_ =	sdelay $0x3  }
0x34: {  	[smem:$0x3FB2] =	sst s10  }
0x35: {  	s10 =	sld [smem:$0x3FB1];
	_ =	sdelay $0x3  }
0x36: {  	p1 =	seq.s32 s10, $0x1;
	s10 =	sld [smem:$0x3FB2];
	_ =	sdelay $0x3  }
0x37: {  	[smem:$0x3FB2] =	sst s10  }
0x38: {  	s10 =	sld [smem:$0x3FB3]  }
0x39: {  	_ = 	snop;
	(pc) =	sbr.ind lr, $3  }
0x3a: {  	_ = 	snop  }
0x3b: {  	_ = 	snop  }
0x3c: {  	p2 =	seq.s32 s10, $0x1;
	s10 =	sld [smem:$0x3FB2]  }
0x3d: {  	_ =	shalt  }
0x3e: {  	_ =	shalt  }
0x3f: {  	_ =	shalt  }
0x40: {  	_ =	shalt  }
0x41: {  	_ =	shalt  }
0x42: {  	_ =	shalt  }
0x43: {  	_ =	shalt  }
0x44: {  	_ =	shalt  }
0x45: {  	_ =	shalt  }
0x46: {  	_ =	shalt  }
0x47: {  	_ =	shalt  }
0x48: {  	_ =	shalt  }
0x49: {  	_ =	shalt  }
0x4a: {  	_ =	shalt  }
0x4b: {  	_ =	shalt  }
0x4c: {  	_ =	shalt  }
0x4d: {  	_ =	shalt  }
0x4e: {  	_ =	shalt  }
0x4f: {  	_ =	shalt  }
0x50: {  	_ =	shalt  }
0x51: {  	_ =	shalt  }
0x52: {  	_ =	shalt  }
0x53: {  	_ =	shalt  }
0x54: {  	_ =	shalt  }
0x55: {  	_ =	shalt  }
0x56: {  	_ =	shalt  }
0x57: {  	_ =	shalt  }
0x58: {  	_ =	shalt  }
0x59: {  	_ =	shalt  }
0x5a: {  	_ =	shalt  }
0x5b: {  	_ =	shalt  }
0x5c: {  	_ =	shalt  }
0x5d: {  	_ =	shalt  }
0x5e: {  	_ =	shalt  }
0x5f: {  	_ =	shalt  }
0x60: {  	_ =	shalt  }
0x61: {  	_ =	shalt  }
0x62: {  	_ =	shalt  }
0x63: {  	_ =	shalt  }
0x64: {  	_ =	shalt  }
0x65: {  	_ =	shalt  }
0x66: {  	_ =	shalt  }
0x67: {  	_ =	shalt  }
0x68: {  	_ =	shalt  }
0x69: {  	_ =	shalt  }
0x6a: {  	_ =	shalt  }
0x6b: {  	_ =	shalt  }
0x6c: {  	_ =	shalt  }
0x6d: {  	_ =	shalt  }
0x6e: {  	_ =	shalt  }
0x6f: {  	_ =	shalt  }
0x70: {  	_ =	shalt  }
0x71: {  	_ =	shalt  }
0x72: {  	_ =	shalt  }
0x73: {  	_ =	shalt  }
0x74: {  	_ =	shalt  }
0x75: {  	_ =	shalt  }
0x76: {  	_ =	shalt  }
0x77: {  	_ =	shalt  }
0x78: {  	_ =	shalt  }
0x79: {  	_ =	shalt  }
0x7a: {  	_ =	shalt  }
0x7b: {  	_ =	shalt  }
0x7c: {  	_ =	shalt  }
0x7d: {  	_ =	shalt  }
0x7e: {  	_ =	shalt  }
0x7f: {  	_ =	shalt  }
0x80: {  	_ =	shalt  }
0x81: {  	_ =	shalt  }
0x82: {  	_ =	shalt  }
0x83: {  	_ =	shalt  }
0x84: {  	_ =	shalt  }
0x85: {  	_ =	shalt  }
0x86: {  	_ =	shalt  }
0x87: {  	_ =	shalt  }
.Lfunc_end0:
.L_simem_size_0:
called_computation.1_lowered:
.L_overlay_start_0:
0x88: {  	s2 =	sld [smem:$0x3FD9]  }
0x89: {  	s3 =	sld [smem:$0x3FFE];
	_ =	sdelay $0x1  }
0x8a: {  	s1 =	srdreg.scid  }
0x8b: {  	s0 =	sand.u32 $0x1, s1  }
0x8c: {  	s16 =	sshll.u32 s0, $0xA;
	s2 =	sadd.s32 s3, s2  }
0x8d: {  	s2 =	sadd.s32 s2, s16  }
0x8e: {  	[smem:$0x3FBE] =	sst s2  }
0x8f: {  	_ = 	snop  }
0x90: {  	(tm) =	ssettm $0x1  }
0x91: {  	s17 =	sld [smem:$0x3FFB];
	_ =	sdelay $0x3  }
0x92: {  	_ =	strace s17  }
0x93: {  	s2 =	sld [smem:$0x3FFC];
	_ =	sdelay $0x3  }
0x94: {  	_ =	strace s2  }
0x95: {  	s2 =	sld [smem:$0x3FFD];
	_ =	sdelay $0x3  }
0x96: {  	_ =	strace s2  }
0x97: {  	_ =	strace $0x8FFFFFFF  }
0x98: {  	s18 =	sld [smem:$0x3FDB];
	_ =	sdelay $0x1  }
0x99: {  	s19 =	simm.s32 $_scs_section_size  }
0x9a: {  	s4 =	simm.s32 $_size__tile_overlayer_lowered;
	s5 =	simm.s32 $_tile_overlayer_lowered  }
0x9b: {  	s22 =	simm.s32 $0x1BFF;
	s21 =	sshll.u32 s5, $0x1;
	s2 =	sadd.s32 s19, s18  }
0x9c: {  	s6 =	simm.s32 $0x0;
	s20 =	sshll.u32 s4, $0x1;
	s4 =	sadd.s32 s21, s2  }
0x9d: {  	[timem:s6], [sflag:s22] =	dma.local [hbm:s4], s20  }
0x9e: {  	_ =	swait.ge [sflag:s22], s20  }
0x9f: {  	s3 =	ssub.s32 $0x0, s20;
	[sflag:s22] =	ssyncset.done $0x0  }
0xa0: {  	[sflag:s22] =	ssyncadd.s32 s3;
	_ =	sdelay $0x1  }
0xa1: {  	s23 =	simm.s32 $0x1B8B  }
0xa2: {  	_ =	swait.ge [sflag:s23], $0x1  }
0xa3: {  	[sflag:s23] =	ssyncset.done $0x0  }
0xa4: {  	s25 =	simm.s32 $0x1B8E;
	s24 =	sld [smem:$0x3FFE];
	[sflag:s23] =	ssyncadd.s32 $0xFFFFFFFF  }
0xa5: {  	s26 =	simm.s32 $execute0_lowered;
	[smem:$0x3FD2] =	sst s25  }
0xa6: {  	s4 =	sshll.u32 s26, $0x1;
	_ =	strace $0x80000049;
	[dreg:$0x1] =	wrdreg $0xFFFFFFFF  }
0xa7: {  	s28 =	simm.s32 $_size_execute0_lowered;
	s2 =	sadd.s32 s2, s4;
	[dreg:$0x0] =	wrdreg $0x0  }
0xa8: {  	s4 =	sshll.u32 s28, $0x1;
	[dreg:$0x2] =	wrdreg s2  }
0xa9: {  	[dreg:$0x3] =	wrdreg s4  }
0xaa: {  	[dreg:$0x4] =	wrdreg $0xC0  }
0xab: {  	_ =	task [dreg:s6], $0x5FFFF  }
0xac: {  	[dreg:$0x1] =	wrdreg $0xFFFFFFFF  }
0xad: {  	[dreg:$0x0] =	wrdreg $0x60  }
0xae: {  	[dreg:$0x2] =	wrdreg s24  }
0xaf: {  	[dreg:$0x3] =	wrdreg $0x0  }
0xb0: {  	[dreg:$0x4] =	wrdreg $0x9  }
0xb1: {  	_ =	task.clear_ibuf [dreg:s6], $0x5FFFF;
	_ =	strace $0x90000049  }
0xb2: {  	s29 =	simm.s32 $0x9;
	_ =	strace $0x8000004B  }
0xb3: {  	_ =	swait.ge [sflag:s29], $0x1  }
0xb4: {  	[sflag:s29] =	ssyncadd.s32 $0xFFFFFFFF  }
0xb5: {  	_ =	strace $0x9000004B  }
0xb6: {  	_ =	sfence  }
0xb7: {  	s30 =	sld [smem:$0x0];
	_ =	sdelay $0x2  }
0xb8: {  	s31 =	sshll.u32 s1, $0xD;
	s1 =	sshrl.u32 s1, $0x2  }
0xb9: {  	s3 =	sand.u32 $0x4000, s31;
	s1 =	sadd.s32 s1, s30  }
0xba: {  	s0 =	sor.u32 s3, s0;
	s1 =	sshll.u32 s1, $0x11  }
0xbb: {  	s0 =	sor.u32 s1, s0  }
0xbc: {  	s0 =	sadd.s32 $0x8F2B, s0  }
0xbd: {  	[sflag:s0] =	ssyncadd.remote.s32 $0x1  }
0xbe: {  	_ =	sfence.sel $0xFFFF  }
0xbf: {  	[dreg:$0x0] =	wrdreg $0xFFFFFFFF;
	(pc) =	sbr.abs _section_cstart, $3  }
0xc0: {  	[dreg:$0x1] =	wrdreg $0xFFFFFFFF  }
0xc1: {  	_ =	task.clear_ibuf [dreg:s6], $0x2FFFF;
	_ =	strace $0x9FFFFFFF  }
0xc2: {  	(tm) =	ssettm $0x7FFFFFFF  }
0xc3: {  	_ =	shalt  }
tec
execute0_lowered:
.L_overlay_start_1:
0x0: {  	(tag) =	ssettag $0x1  }
0x1: {  	s4 =	rddreg [dreg:$0x0]  }
0x2: {  	s2 =	rddreg [dreg:$0x1]  }
0x3: {  	s3 =	simm.s32 $0x0;
	s5 =	srdreg.scid;
	s1 =	stileid.u32  }
0x4: {  	s15 =	simm.s32 $0x5;
	s18 =	simm.s32 $0x1;
	s19 =	simm.s32 $0x50  }
0x5: {  	s20 =	simm.s32 $0x2;
	s21 =	simm.s32 $0x3;
	s22 =	simm.s32 $0x4  }
0x6: {  	s7 =	sand.u32 $0x1, s5;
	s23 =	sshll.u32 s1, $0x1;
	s6 =	smul.u32 $0x2800, s1  }
0x7: {  	[smem:$0x7FF] =	sst s3;
	s9 =	sadd.s32 $0x13400, s4;
	s28 =	smul.u32 $0x50000, s1  }
0x8: {  	s14 =	smul.u32 $0x27600, s1;
	s16 =	sshll.u32 s1, $0x6;
	s5 =	sor.u32 s7, s23  }
0x9: {  	s8 =	smul.u32 $0x28000, s7;
	_ =	strace $0x8000004A;
	s24 =	ssub.s32 $0x2, s7  }
0xa: {  	s30 =	smul.u32 $0x13B00, s7;
	s16 =	sor.u32 $0x1C05, s16;
	s23 =	simm.s32 $0x15E00  }
0xb: {  	s10 =	sshll.u32 s5, $0xA;
	s11 =	smul.u32 $0x9D800, s5;
	s12 =	sadd.s32 s6, s4  }
0xc: {  	s25 =	sshrl.u32 s24, $0x1;
	s5 =	smul.u32 $0x13B00, s5;
	s29 =	sshrl.u32 s28, $0x2  }
0xd: {  	s31 =	sadd.s32 s14, s9;
	s14 =	simm.s32 $0x14000;
	s10 =	sadd.s32 s10, s4  }
0xe: {  	s8 =	sadd.s32 s6, s8;
	s13 =	ssub.s32 s24, s25;
	s17 =	sadd.s32 s29, s2  }
0xf: {  	s7 =	sadd.s32 $0x289400, s12;
	s12 =	simm.s32 $0x16000;
	s24 =	simm.s32 $0x15E80  }
0x10: {  	s25 =	simm.s32 $0x15F00;
	s8 =	sadd.s32 s8, s4;
	s11 =	sshrl.u32 s11, $0x3  }
0x11: {  	s4 =	sadd.s32 s9, s5;
	s6 =	sadd.s32 $0xB400, s10;
	s17 =	sshrl.u32 s17, $0x3  }
0x12: {  	s26 =	sadd.s32 s9, s11;
	s8 =	sadd.s32 $0x2B1400, s8;
	s9 =	smax.u32 s13, $0x1  }
0x13: {  	s11 =	sadd.s32 s30, s31;
	s10 =	sadd.s32 $0x13600, s4;
	s13 =	simm.s32 $0x18800  }
0x14: {  	s5 =	sadd.s32 $0x500, s26;
	s11 =	sadd.s32 $0xF00, s11;
	s26 =	simm.s32 $0x0  }
.LBB2_1:
0x15: {  	[tilespmem:s12], [sflag:$0x1] =	stream.linear.gather [hbm4b:s4+s3], $0x2800, $0x38;
	[tilespmem:$0x1B000] =	vst v63  }
0x16: {  	_ = 	snop  }
0x17: {  	[tilespmem:s13], [sflag:$0x2] =	stream.linear.gather [hbm4b:s5+s3], $0x2800, $0x38;
	[tilespmem:$0x1B000] =	vst v63  }
0x18: {  	_ = 	snop  }
0x19: {  	[tilespmem:s14], [sflag:$0x5] =	stream.linear.gather [hbm4b:s6+s3], $0x1F80, $0x38;
	[tilespmem:$0x1B000] =	vst v63  }
0x1a: {  	_ =	swait.ge [sflag:s15], $0x1F80  }
0x1b: {  	[sflag:s15] =	ssyncset.done $0x0  }
0x1c: {  	[sflag:s15] =	ssyncadd.s32 $0xFFFFE080  }
0x1d: {  	[spmem:s17], [sflag:s16] =	dma.local [hbm:s7], $0x2800  }
0x1e: {  	_ =	swait.ge [sflag:s15], $0x2800  }
0x1f: {  	[sflag:s15] =	ssyncset.done $0x0  }
0x20: {  	[sflag:s15] =	ssyncadd.s32 $0xFFFFD800  }
0x21: {  	[bflag:$0x0] =	sbarrier.arrive $0xFFFF  }
0x22: {  	_ =	swait.ge [sflag:s18], $0x2800  }
0x23: {  	[sflag:s18] =	ssyncset.done $0x0  }
0x24: {  	s28 =	simm.s32 $0x14000;
	[sflag:s18] =	ssyncadd.s32 $0xFFFFD800  }
0x25: {  	[spmem:s2] =	stream.indirect.scatter.add.f32 [tilespmem:s12], [sflag:$0x3], $0x80, s28, s19, $0xb8;
	[tilespmem:$0x1B000] =	vst v63  }
0x26: {  	_ =	swait.ge [sflag:s20], $0x2800  }
0x27: {  	[sflag:s20] =	ssyncset.done $0x0  }
0x28: {  	s28 =	simm.s32 $0x14080;
	[sflag:s20] =	ssyncadd.s32 $0xFFFFD800  }
0x29: {  	[spmem:s2] =	stream.indirect.scatter.add.f32 [tilespmem:s13], [sflag:$0x4], $0x80, s28, s19, $0xb8;
	[tilespmem:$0x1B000] =	vst v63  }
0x2a: {  	_ =	swait.ge [sflag:s21], $0x2800  }
0x2b: {  	[sflag:s21] =	ssyncset.done $0x0  }
0x2c: {  	s28 =	sadd.s32 $0xFFFFFB00, s11;
	[sflag:s21] =	ssyncadd.s32 $0xFFFFD800  }
0x2d: {  	[tilespmem:s12], [sflag:$0x1] =	stream.linear.gather [hbm4b:s28+s3], $0x2800, $0x38;
	[tilespmem:$0x1B000] =	vst v63  }
0x2e: {  	_ =	swait.ge [sflag:s22], $0x2800  }
0x2f: {  	s29 =	sadd.s32 $0xA00, s11;
	[sflag:s22] =	ssyncset.done $0x0  }
0x30: {  	s30 =	smov.u32 s11;
	s28 =	simm.s32 $0x400;
	[sflag:s22] =	ssyncadd.s32 $0xFFFFD800  }
.LBB2_2:
0x31: {  	[tilespmem:s13], [sflag:$0x2] =	stream.linear.gather [hbm4b:s30+s3], $0x2800, $0x38;
	[tilespmem:$0x1B000] =	vst v63  }
0x32: {  	s31 =	smov.u32 s28;
	s30 =	smov.u32 s29  }
0x33: {  	p0 =	sne.s32 s28, $0x7400;
	s28 =	sadd.s32 $0x400, s28;
	_ =	swait.ge [sflag:s18], $0x2800  }
0x34: {  	s31 =	sshra.s32 s31, $0x2;
	[sflag:s18] =	ssyncset.done $0x0  }
0x35: {  	s0 =	sadd.s32 $0x14000, s31;
	[sflag:s18] =	ssyncadd.s32 $0xFFFFD800  }
0x36: {  	[spmem:s2] =	stream.indirect.scatter.add.f32 [tilespmem:s12], [sflag:$0x3], $0x80, s0, s19, $0xb8;
	[tilespmem:$0x1B000] =	vst v63  }
0x37: {  	_ =	swait.ge [sflag:s20], $0x2800  }
0x38: {  	[sflag:s20] =	ssyncset.done $0x0  }
0x39: {  	s0 =	sadd.s32 $0x14080, s31;
	[sflag:s20] =	ssyncadd.s32 $0xFFFFD800  }
0x3a: {  	[spmem:s2] =	stream.indirect.scatter.add.f32 [tilespmem:s13], [sflag:$0x4], $0x80, s0, s19, $0xb8;
	[tilespmem:$0x1B000] =	vst v63  }
0x3b: {  	_ =	swait.ge [sflag:s21], $0x2800  }
0x3c: {  	[sflag:s21] =	ssyncset.done $0x0  }
.Ltmp0:
0x3d: {  	s0 =	sadd.s32 $0xFFFFFB00, s29;
	[sflag:s21] =	ssyncadd.s32 $0xFFFFD800;
	(pc) =	sbr.rel @p0 .LBB2_2-.Ltmp0, $4  }
0x3e: {  	[tilespmem:s12], [sflag:$0x1] =	stream.linear.gather [hbm4b:s0+s3], $0x2800, $0x38;
	[tilespmem:$0x1B000] =	vst v63  }
0x3f: {  	_ =	swait.ge [sflag:s22], $0x2800  }
0x40: {  	[sflag:s22] =	ssyncset.done $0x0  }
0x41: {  	s29 =	sadd.s32 $0xA00, s29;
	[sflag:s22] =	ssyncadd.s32 $0xFFFFD800  }
0x42: {  	[tilespmem:s13], [sflag:$0x2] =	stream.linear.gather [hbm4b:s30+s3], $0x2800, $0x38;
	[tilespmem:$0x1B000] =	vst v63  }
0x43: {  	_ =	swait.ge [sflag:s18], $0x2800  }
0x44: {  	[sflag:s18] =	ssyncset.done $0x0  }
0x45: {  	[sflag:s18] =	ssyncadd.s32 $0xFFFFD800  }
0x46: {  	[spmem:s2] =	stream.indirect.scatter.add.f32 [tilespmem:s12], [sflag:$0x3], $0x80, s23, s19, $0xb8;
	[tilespmem:$0x1B000] =	vst v63  }
0x47: {  	_ =	swait.ge [sflag:s20], $0x2800  }
0x48: {  	[sflag:s20] =	ssyncset.done $0x0  }
0x49: {  	[sflag:s20] =	ssyncadd.s32 $0xFFFFD800  }
0x4a: {  	[spmem:s2] =	stream.indirect.scatter.add.f32 [tilespmem:s13], [sflag:$0x4], $0x80, s24, s19, $0xb8;
	[tilespmem:$0x1B000] =	vst v63  }
0x4b: {  	_ =	swait.ge [sflag:s21], $0x2800  }
0x4c: {  	[sflag:s21] =	ssyncset.done $0x0  }
0x4d: {  	[sflag:s21] =	ssyncadd.s32 $0xFFFFD800  }
0x4e: {  	[tilespmem:s12], [sflag:$0x1] =	stream.linear.gather [hbm4b:s10+s3], $0x2800, $0x38;
	[tilespmem:$0x1B000] =	vst v63  }
0x4f: {  	_ =	swait.ge [sflag:s18], $0x2800  }
0x50: {  	[sflag:s18] =	ssyncset.done $0x0  }
0x51: {  	[sflag:s18] =	ssyncadd.s32 $0xFFFFD800  }
0x52: {  	_ =	swait.ge [sflag:s22], $0x2800  }
0x53: {  	[sflag:s22] =	ssyncset.done $0x0  }
0x54: {  	[sflag:s22] =	ssyncadd.s32 $0xFFFFD800  }
0x55: {  	[spmem:s2] =	stream.indirect.scatter.add.f32 [tilespmem:s12], [sflag:$0x5], $0x80, s25, s19, $0xb8;
	[tilespmem:$0x1B000] =	vst v63  }
0x56: {  	_ =	swait.ge [sflag:s15], $0x2800  }
0x57: {  	s26 =	sadd.s32 $0x1, s26;
	[sflag:s15] =	ssyncset.done $0x0  }
0x58: {  	p0 =	sne.s32 s26, s9;
	[sflag:s15] =	ssyncadd.s32 $0xFFFFD800  }
.Ltmp1:
0x59: {  	[bflag:$0x0] =	sbarrier.arrive $0xFFFF;
	(pc) =	sbr.rel @p0 .LBB2_1-.Ltmp1, $4  }
0x5a: {  	[hbm:s8], [sflag:s16] =	dma.local [spmem:s17], $0x2800  }
0x5b: {  	_ =	swait.ge [sflag:s15], $0x2800  }
0x5c: {  	[sflag:s15] =	ssyncset.done $0x0  }
0x5d: {  	[sflag:s15] =	ssyncadd.s32 $0xFFFFD800  }
0x5e: {  	_ =	sfence.sel $0x180000  }
0x5f: {  	[bflag:$0x0] =	sbarrier.arrive $0xFFFF  }
0x60: {  	_ =	strace $0x9000004A  }
0x61: {  	[bflag:$0x2] =	sbarrier.arrive $0xFFFF  }
0x62: {  	p0 =	sne.s32 s1, $0x0;
	s0 =	rddreg [dreg:$0x2]  }
0x63: {  	s0 =	sadd.s32 @!p0 $0x100000, s0  }
0x64: {  	[sflag:s0] =	ssyncadd.tile.s32 @!p0 $0x1;
	_ =	shalt  }
.Lfunc_end2:
_tile_overlayer_lowered:
.L_overlay_start_2:
0x65: {  	(tag) =	ssettag $0x2  }
0x66: {  	s0 =	rddreg [dreg:$0x0];
	s2 =	stileid.u32  }
0x67: {  	s1 =	rddreg [dreg:$0x1];
	p0 =	sne.s32 s2, $0x0  }
0x68: {  	s3 =	rddreg [dreg:$0x2];
	[bflag:$0x3] =	sbarrier.arrive $0xFFFF;
	s2 =	simm.s32 @!p0 $0x1C05  }
0x69: {  	[timem:s3], [sflag:s2] =	dma.local @!p0 [hbm:s0], s1  }
0x6a: {  	s0 =	simm.s32 @!p0 $0x5  }
0x6b: {  	_ =	swait.ge @!p0 [sflag:s0], s1  }
0x6c: {  	s1 =	ssub.s32 @!p0 $0x0, s1;
	[sflag:s0] =	ssyncset.done @!p0 $0x0  }
0x6d: {  	[sflag:s0] =	ssyncadd.s32 @!p0 s1  }
0x6e: {  	[bflag:$0x3] =	sbarrier.arrive $0xFFFF  }
0x6f: {  	_ =	shalt  }

// kernel: kernel.14.cloned.1.call-start
scs
__scs_entry_jumppad:
0x0: {  	(pc) =	sbr.rel $0x88, $3  }
0x1: {  	(tag) =	ssettag $0x0;
	lr =	simm.s32 $0x1  }
0x2: {  	[smem:$0x3F97] =	sst lr;
	_ =	strace $0xD0000000  }
0x3: {  	_ = 	snop  }
0x4: {  	_ = 	snop  }
0x5: {  	_ = 	snop  }
0x6: {  	_ = 	snop  }
0x7: {  	_ = 	snop  }
__scs_overlays_trampoline_lowered:
0x8: {  	[smem:$0x3FA6] =	sst s0  }
0x9: {  	[smem:$0x3FA7] =	sst s1  }
0xa: {  	[smem:$0x3FA8] =	sst s2  }
0xb: {  	[smem:$0x3FA9] =	sst s3  }
0xc: {  	[smem:$0x3FAA] =	sst s4  }
0xd: {  	[smem:$0x3FAB] =	sst s5  }
0xe: {  	[smem:$0x3FAC] =	sst s6  }
0xf: {  	[smem:$0x3FAD] =	sst s7  }
0x10: {  	[smem:$0x3FAE] =	sst s8  }
0x11: {  	[smem:$0x3FAF] =	sst s9;
	s0 =	simm.s32 @!p0 $0x0  }
0x12: {  	s1 =	sld [smem:$0x3F95];
	s0 =	simm.s32 @p0 $0x1  }
0x13: {  	[smem:$0x3FB0] =	sst s0;
	s0 =	simm.s32 @!p1 $0x0  }
0x14: {  	s2 =	sld [smem:$0x3F94];
	s0 =	simm.s32 @p1 $0x1  }
0x15: {  	[smem:$0x3FB1] =	sst s0;
	s0 =	simm.s32 @!p2 $0x0  }
0x16: {  	s3 =	sld [smem:$0x3FDB];
	s0 =	simm.s32 @p2 $0x1  }
0x17: {  	s4 =	simm.s32 $0x1BF5;
	[smem:$0x3FB3] =	sst s0  }
0x18: {  	s0 =	sld [smem:$0x3F96];
	_ =	swait.ge [sflag:s4], $0x0  }
0x19: {  	s7 =	sld [smem:$0x3F97]  }
0x1a: {  	s8 =	sadd.s32 $0xFFFFE003, lr  }
0x1b: {  	s9 =	sadd.s32 $0xFFFFFEF7, lr;
	s5 =	simm.s32 $0xFFFFFFFF;
	p2 =	slt.u32 s8, $0xFFFFF086  }
0x1c: {  	p1 =	slt.u32 s9, $0xF7A;
	s5 =	simm.s32 @!p2 $0x0  }
0x1d: {  	s5 =	simm.s32 @p1 $0x1;
	p0 =	seq.s32 s7, s2  }
0x1e: {  	s7 =	smul.u32 @!p0 $0xF7A, s2;
	p2 =	seq.s32 @!p0 s5, $0x0  }
0x1f: {  	s9 =	smul.u32 $0xF7A, s1;
	s8 =	simm.s32 @!p0 $0x1BF5;
	p2 =	por !p2, p0  }
0x20: {  	[sflag:s8] =	ssyncset.s32 @!p0 $0xFFFFF086;
	s6 =	sadd.s32 @!p0 s3, s7;
	s7 =	simm.s32 @!p0 $0x108  }
0x21: {  	s3 =	sadd.s32 s3, s9;
	s6 =	sadd.s32 @!p0 $0x88, s6;
	s7 =	simm.s32 @p2 $0x1082  }
0x22: {  	[simem:s7], [sflag:s8] =	dma.local @!p0 [hbm:s6], $0xF7A  }
0x23: {  	s9 =	sor.u32 $0xD0000000, s2;
	s6 =	simm.s32 $0x108;
	_ =	swait.ge @!p0 [sflag:s8], $0x0  }
0x24: {  	s3 =	sadd.s32 $0x88, s3;
	s6 =	simm.s32 @!p1 $0x1082;
	[sflag:s4] =	ssyncset.s32 $0xFFFFF086  }
0x25: {  	[simem:s6], [sflag:s4] =	dma.local [hbm:s3], $0xF7A  }
0x26: {  	[smem:$0x3F97] =	sst s1;
	(tag) =	ssettag s2;
	_ =	strace s9  }
0x27: {  	s1 =	sld [smem:$0x3FA7]  }
0x28: {  	s2 =	sld [smem:$0x3FA8]  }
0x29: {  	s4 =	sld [smem:$0x3FAA]  }
0x2a: {  	p0 =	seq.s32 s5, $0x0;
	s5 =	sld [smem:$0x3FAB]  }
0x2b: {  	s6 =	sld [smem:$0x3FAC]  }
0x2c: {  	s7 =	sld [smem:$0x3FAD]  }
0x2d: {  	s3 =	simm.s32 $0x108;
	s8 =	sld [smem:$0x3FAE]  }
0x2e: {  	s3 =	simm.s32 @!p0 $0x1082;
	s9 =	sld [smem:$0x3FAF]  }
0x2f: {  	lr =	sadd.s32 s0, s3;
	s0 =	sld [smem:$0x3FA6]  }
0x30: {  	s3 =	sld [smem:$0x3FA9]  }
0x31: {  	[smem:$0x3FB2] =	sst s10  }
0x32: {  	s10 =	sld [smem:$0x3FB0];
	_ =	sdelay $0x3  }
0x33: {  	p0 =	seq.s32 s10, $0x1;
	s10 =	sld [smem:$0x3FB2];
	_ =	sdelay $0x3  }
0x34: {  	[smem:$0x3FB2] =	sst s10  }
0x35: {  	s10 =	sld [smem:$0x3FB1];
	_ =	sdelay $0x3  }
0x36: {  	p1 =	seq.s32 s10, $0x1;
	s10 =	sld [smem:$0x3FB2];
	_ =	sdelay $0x3  }
0x37: {  	[smem:$0x3FB2] =	sst s10  }
0x38: {  	s10 =	sld [smem:$0x3FB3]  }
0x39: {  	_ = 	snop;
	(pc) =	sbr.ind lr, $3  }
0x3a: {  	_ = 	snop  }
0x3b: {  	_ = 	snop  }
0x3c: {  	p2 =	seq.s32 s10, $0x1;
	s10 =	sld [smem:$0x3FB2]  }
0x3d: {  	_ =	shalt  }
0x3e: {  	_ =	shalt  }
0x3f: {  	_ =	shalt  }
0x40: {  	_ =	shalt  }
0x41: {  	_ =	shalt  }
0x42: {  	_ =	shalt  }
0x43: {  	_ =	shalt  }
0x44: {  	_ =	shalt  }
0x45: {  	_ =	shalt  }
0x46: {  	_ =	shalt  }
0x47: {  	_ =	shalt  }
0x48: {  	_ =	shalt  }
0x49: {  	_ =	shalt  }
0x4a: {  	_ =	shalt  }
0x4b: {  	_ =	shalt  }
0x4c: {  	_ =	shalt  }
0x4d: {  	_ =	shalt  }
0x4e: {  	_ =	shalt  }
0x4f: {  	_ =	shalt  }
0x50: {  	_ =	shalt  }
0x51: {  	_ =	shalt  }
0x52: {  	_ =	shalt  }
0x53: {  	_ =	shalt  }
0x54: {  	_ =	shalt  }
0x55: {  	_ =	shalt  }
0x56: {  	_ =	shalt  }
0x57: {  	_ =	shalt  }
0x58: {  	_ =	shalt  }
0x59: {  	_ =	shalt  }
0x5a: {  	_ =	shalt  }
0x5b: {  	_ =	shalt  }
0x5c: {  	_ =	shalt  }
0x5d: {  	_ =	shalt  }
0x5e: {  	_ =	shalt  }
0x5f: {  	_ =	shalt  }
0x60: {  	_ =	shalt  }
0x61: {  	_ =	shalt  }
0x62: {  	_ =	shalt  }
0x63: {  	_ =	shalt  }
0x64: {  	_ =	shalt  }
0x65: {  	_ =	shalt  }
0x66: {  	_ =	shalt  }
0x67: {  	_ =	shalt  }
0x68: {  	_ =	shalt  }
0x69: {  	_ =	shalt  }
0x6a: {  	_ =	shalt  }
0x6b: {  	_ =	shalt  }
0x6c: {  	_ =	shalt  }
0x6d: {  	_ =	shalt  }
0x6e: {  	_ =	shalt  }
0x6f: {  	_ =	shalt  }
0x70: {  	_ =	shalt  }
0x71: {  	_ =	shalt  }
0x72: {  	_ =	shalt  }
0x73: {  	_ =	shalt  }
0x74: {  	_ =	shalt  }
0x75: {  	_ =	shalt  }
0x76: {  	_ =	shalt  }
0x77: {  	_ =	shalt  }
0x78: {  	_ =	shalt  }
0x79: {  	_ =	shalt  }
0x7a: {  	_ =	shalt  }
0x7b: {  	_ =	shalt  }
0x7c: {  	_ =	shalt  }
0x7d: {  	_ =	shalt  }
0x7e: {  	_ =	shalt  }
0x7f: {  	_ =	shalt  }
0x80: {  	_ =	shalt  }
0x81: {  	_ =	shalt  }
0x82: {  	_ =	shalt  }
0x83: {  	_ =	shalt  }
0x84: {  	_ =	shalt  }
0x85: {  	_ =	shalt  }
0x86: {  	_ =	shalt  }
0x87: {  	_ =	shalt  }
.Lfunc_end0:
.L_simem_size_0:
called_computation.2_lowered:
.L_overlay_start_0:
0x88: {  	s2 =	sld [smem:$0x3FD9]  }
0x89: {  	s3 =	sld [smem:$0x3FFE];
	_ =	sdelay $0x1  }
0x8a: {  	s1 =	srdreg.scid  }
0x8b: {  	s0 =	sand.u32 $0x1, s1  }
0x8c: {  	s17 =	sshll.u32 s0, $0xA;
	s2 =	sadd.s32 s3, s2  }
0x8d: {  	s2 =	sadd.s32 s2, s17  }
0x8e: {  	[smem:$0x3FBE] =	sst s2  }
0x8f: {  	_ = 	snop  }
0x90: {  	s18 =	sld [smem:$0x3FD0];
	(tm) =	ssettm $0x1  }
0x91: {  	s19 =	sld [smem:$0x3FFB];
	_ =	sdelay $0x3  }
0x92: {  	_ =	strace s19  }
0x93: {  	s2 =	sld [smem:$0x3FFC];
	_ =	sdelay $0x3  }
0x94: {  	_ =	strace s2  }
0x95: {  	s2 =	sld [smem:$0x3FFD];
	_ =	sdelay $0x3  }
0x96: {  	_ =	strace s2  }
0x97: {  	_ =	strace $0x8FFFFFFF  }
0x98: {  	s20 =	sld [smem:$0x3FDB];
	_ =	sdelay $0x1  }
0x99: {  	s4 =	simm.s32 $_scs_section_size  }
0x9a: {  	s5 =	simm.s32 $_size__tile_overlayer_lowered;
	s6 =	simm.s32 $_tile_overlayer_lowered  }
0x9b: {  	s7 =	simm.s32 $0x1BFF;
	s21 =	sshll.u32 s6, $0x1;
	s4 =	sadd.s32 s4, s20  }
0x9c: {  	s22 =	simm.s32 $0x0;
	s5 =	sshll.u32 s5, $0x1;
	s6 =	sadd.s32 s21, s4  }
0x9d: {  	[timem:s22], [sflag:s7] =	dma.local [hbm:s6], s5  }
0x9e: {  	_ =	swait.ge [sflag:s7], s5  }
0x9f: {  	s5 =	ssub.s32 $0x0, s5;
	[sflag:s7] =	ssyncset.done $0x0  }
0xa0: {  	[sflag:s7] =	ssyncadd.s32 s5;
	_ =	sdelay $0x1  }
0xa1: {  	s23 =	simm.s32 $0x1B8B  }
0xa2: {  	_ =	swait.ge [sflag:s23], $0x1  }
0xa3: {  	[sflag:s23] =	ssyncset.done $0x0  }
0xa4: {  	[sflag:s23] =	ssyncadd.s32 $0xFFFFFFFF  }
0xa5: {  	s5 =	sld [smem:$0x0]  }
0xa6: {  	s6 =	sand.u32 $0xFFFFFFFE, s1  }
0xa7: {  	p0 =	sne.s32 s1, s6  }
0xa8: {  	s6 =	sshll.u32 @p0 s6, $0xE  }
0xa9: {  	s6 =	sadd.s32 @p0 $0x11B8D, s6;
	s7 =	sshll.u32 @p0 s5, $0x11  }
0xaa: {  	s6 =	sor.u32 @p0 s7, s6  }
0xab: {  	[sflag:s6] =	ssyncadd.remote.s32 @p0 $0x1;
	_ =	sdelay $0x1  }
0xac: {  	s6 =	simm.s32 @p0 $0x1B8D  }
0xad: {  	_ =	swait.eq @p0 [sflag:s6], $0x1  }
0xae: {  	[sflag:s6] =	ssyncadd.s32 @p0 $0xFFFFFFFF  }
0xaf: {  	s7 =	sshll.u32 @!p0 s1, $0xE  }
0xb0: {  	s7 =	sor.u32 @!p0 $0x4000, s7;
	s6 =	simm.s32 @!p0 $0x1B8D  }
0xb1: {  	s5 =	sshll.u32 @!p0 s5, $0x11;
	s7 =	sadd.s32 @!p0 $0x11B8D, s7;
	_ =	swait.eq @!p0 [sflag:s6], $0x1  }
0xb2: {  	s5 =	sor.u32 @!p0 s5, s7;
	[sflag:s6] =	ssyncadd.s32 @!p0 $0xFFFFFFFF  }
0xb3: {  	s25 =	simm.s32 $0x1B8E;
	s24 =	sld [smem:$0x3FFE];
	[sflag:s5] =	ssyncadd.remote.s32 @!p0 $0x1  }
0xb4: {  	s26 =	simm.s32 $execute0_lowered;
	[smem:$0x3FD2] =	sst s25  }
0xb5: {  	s6 =	sshll.u32 s26, $0x1;
	_ =	strace $0x8000004C;
	[dreg:$0x1] =	wrdreg $0xFFFFFFFF  }
0xb6: {  	s28 =	simm.s32 $_size_execute0_lowered;
	s4 =	sadd.s32 s4, s6;
	[dreg:$0x0] =	wrdreg $0x0  }
0xb7: {  	s6 =	sshll.u32 s28, $0x1;
	[dreg:$0x2] =	wrdreg s4  }
0xb8: {  	[dreg:$0x3] =	wrdreg s6  }
0xb9: {  	[dreg:$0x4] =	wrdreg $0xC0  }
0xba: {  	_ =	task [dreg:s22], $0x5FFFF  }
0xbb: {  	[dreg:$0x1] =	wrdreg $0xFFFFFFFF  }
0xbc: {  	[dreg:$0x0] =	wrdreg $0x60  }
0xbd: {  	[dreg:$0x2] =	wrdreg s24  }
0xbe: {  	[dreg:$0x3] =	wrdreg s18  }
0xbf: {  	[dreg:$0x4] =	wrdreg $0x0  }
0xc0: {  	[dreg:$0x5] =	wrdreg $0xA  }
0xc1: {  	_ =	task.clear_ibuf [dreg:s22], $0x6FFFF;
	_ =	strace $0x9000004C  }
0xc2: {  	s29 =	simm.s32 $0xA;
	_ =	strace $0x8000004E  }
0xc3: {  	_ =	swait.ge [sflag:s29], $0x1  }
0xc4: {  	[sflag:s29] =	ssyncadd.s32 $0xFFFFFFFF  }
0xc5: {  	_ =	strace $0x9000004E  }
0xc6: {  	_ =	sfence  }
0xc7: {  	s30 =	sld [smem:$0x0];
	_ =	sdelay $0x2  }
0xc8: {  	s31 =	sshll.u32 s1, $0xD;
	s1 =	sshrl.u32 s1, $0x2  }
0xc9: {  	s4 =	sand.u32 $0x4000, s31;
	s1 =	sadd.s32 s1, s30  }
0xca: {  	s0 =	sor.u32 s4, s0;
	s1 =	sshll.u32 s1, $0x11  }
0xcb: {  	s0 =	sor.u32 s1, s0  }
0xcc: {  	s0 =	sadd.s32 $0x8F2B, s0  }
0xcd: {  	[sflag:s0] =	ssyncadd.remote.s32 $0x1  }
0xce: {  	_ =	sfence.sel $0xFFFF  }
0xcf: {  	[dreg:$0x0] =	wrdreg $0xFFFFFFFF;
	(pc) =	sbr.abs _section_cstart, $3  }
0xd0: {  	[dreg:$0x1] =	wrdreg $0xFFFFFFFF  }
0xd1: {  	_ =	task.clear_ibuf [dreg:s22], $0x2FFFF;
	_ =	strace $0x9FFFFFFF  }
0xd2: {  	(tm) =	ssettm $0x7FFFFFFF  }
0xd3: {  	_ =	shalt  }
tec
execute0_lowered:
.L_overlay_start_1:
0x0: {  	(tag) =	ssettag $0x1  }
0x1: {  	s4 =	rddreg [dreg:$0x0]  }
0x2: {  	s6 =	rddreg [dreg:$0x1]  }
0x3: {  	s2 =	rddreg [dreg:$0x2]  }
0x4: {  	s0 =	rddreg [dreg:$0x3]  }
0x5: {  	s3 =	simm.s32 $0x0;
	s1 =	stileid.u32;
	s5 =	srdreg.scid  }
0x6: {  	s17 =	simm.s32 $0x1;
	s18 =	simm.s32 $0x50;
	s19 =	simm.s32 $0x2  }
0x7: {  	s20 =	simm.s32 $0x3;
	s21 =	simm.s32 $0x4;
	s7 =	smul.u32 $0x2800, s1  }
0x8: {  	s22 =	simm.s32 $0x15E00;
	[smem:$0x7FF] =	sst s3;
	s28 =	smul.u32 $0x50000, s1  }
0x9: {  	s8 =	sand.u32 $0x1, s5;
	s9 =	sshll.u32 s1, $0x1;
	s30 =	smul.u32 $0x26C00, s1  }
0xa: {  	s10 =	sadd.s32 $0x301400, s4;
	s15 =	sshll.u32 s1, $0x6;
	s5 =	smul.u32 $0x28000, s8  }
0xb: {  	s9 =	sor.u32 s8, s9;
	s23 =	ssub.s32 $0x2, s8;
	s8 =	smul.u32 $0x13600, s8  }
0xc: {  	_ =	strace $0x8000004D;
	s15 =	sor.u32 $0x1C05, s15;
	s12 =	smul.u32 $0x9B000, s9  }
0xd: {  	s11 =	sadd.s32 s7, s4;
	s24 =	sshrl.u32 s23, $0x1;
	s25 =	smul.u32 $0x13600, s9  }
0xe: {  	s9 =	sshll.u32 s9, $0xA;
	s31 =	sshrl.u32 s28, $0x2;
	s5 =	sadd.s32 s7, s5  }
0xf: {  	s14 =	ssub.s32 s23, s24;
	s6 =	sadd.s32 s6, s9;
	s16 =	sadd.s32 s31, s2  }
0x10: {  	s7 =	sadd.s32 $0x289400, s11;
	s11 =	simm.s32 $0x16000;
	s23 =	simm.s32 $0x15E80  }
0x11: {  	s24 =	simm.s32 $0x0;
	s13 =	sadd.s32 s5, s4;
	s26 =	sshrl.u32 s12, $0x3  }
0x12: {  	s4 =	sadd.s32 s10, s25;
	s9 =	smax.u32 s14, $0x1;
	s12 =	simm.s32 $0x18800  }
0x13: {  	s14 =	simm.s32 $0x5;
	s29 =	sadd.s32 s10, s26;
	s10 =	sadd.s32 s30, s10  }
0x14: {  	s16 =	sshrl.u32 s16, $0x3;
	s5 =	sadd.s32 $0x500, s29;
	s10 =	sadd.s32 s8, s10  }
0x15: {  	s8 =	sadd.s32 $0x56D400, s13;
	s13 =	simm.s32 $0x14000;
	s10 =	sadd.s32 $0xF00, s10  }
.LBB2_1:
0x16: {  	[tilespmem:s11], [sflag:$0x1] =	stream.linear.gather [hbm4b:s4+s3], $0x2800, $0x38;
	[tilespmem:$0x1B000] =	vst v63  }
0x17: {  	_ = 	snop  }
0x18: {  	[tilespmem:s12], [sflag:$0x2] =	stream.linear.gather [hbm4b:s5+s3], $0x2800, $0x38;
	[tilespmem:$0x1B000] =	vst v63  }
0x19: {  	_ = 	snop  }
0x1a: {  	[tilespmem:s13], [sflag:$0x5] =	stream.linear.gather [hbm4b:s6+s3], $0x1F00, $0x38;
	[tilespmem:$0x1B000] =	vst v63  }
0x1b: {  	_ =	swait.ge [sflag:s14], $0x1F00  }
0x1c: {  	[sflag:s14] =	ssyncset.done $0x0  }
0x1d: {  	[sflag:s14] =	ssyncadd.s32 $0xFFFFE100  }
0x1e: {  	[spmem:s16], [sflag:s15] =	dma.local [hbm:s7], $0x2800  }
0x1f: {  	_ =	swait.ge [sflag:s14], $0x2800  }
0x20: {  	[sflag:s14] =	ssyncset.done $0x0  }
0x21: {  	[sflag:s14] =	ssyncadd.s32 $0xFFFFD800  }
0x22: {  	[bflag:$0x0] =	sbarrier.arrive $0xFFFF  }
0x23: {  	_ =	swait.ge [sflag:s17], $0x2800  }
0x24: {  	[sflag:s17] =	ssyncset.done $0x0  }
0x25: {  	s25 =	simm.s32 $0x14000;
	[sflag:s17] =	ssyncadd.s32 $0xFFFFD800  }
0x26: {  	[spmem:s2] =	stream.indirect.scatter.add.f32 [tilespmem:s11], [sflag:$0x3], $0x80, s25, s18, $0xb8;
	[tilespmem:$0x1B000] =	vst v63  }
0x27: {  	_ =	swait.ge [sflag:s19], $0x2800  }
0x28: {  	[sflag:s19] =	ssyncset.done $0x0  }
0x29: {  	s30 =	simm.s32 $0x14080;
	[sflag:s19] =	ssyncadd.s32 $0xFFFFD800  }
0x2a: {  	[spmem:s2] =	stream.indirect.scatter.add.f32 [tilespmem:s12], [sflag:$0x4], $0x80, s30, s18, $0xb8;
	[tilespmem:$0x1B000] =	vst v63  }
0x2b: {  	_ =	swait.ge [sflag:s20], $0x2800  }
0x2c: {  	[sflag:s20] =	ssyncset.done $0x0  }
0x2d: {  	s31 =	sadd.s32 $0xFFFFFB00, s10;
	[sflag:s20] =	ssyncadd.s32 $0xFFFFD800  }
0x2e: {  	[tilespmem:s11], [sflag:$0x1] =	stream.linear.gather [hbm4b:s31+s3], $0x2800, $0x38;
	[tilespmem:$0x1B000] =	vst v63  }
0x2f: {  	_ =	swait.ge [sflag:s21], $0x2800  }
0x30: {  	s26 =	sadd.s32 $0xA00, s10;
	[sflag:s21] =	ssyncset.done $0x0  }
0x31: {  	s28 =	smov.u32 s10;
	s25 =	simm.s32 $0x400;
	[sflag:s21] =	ssyncadd.s32 $0xFFFFD800  }
.LBB2_2:
0x32: {  	[tilespmem:s12], [sflag:$0x2] =	stream.linear.gather [hbm4b:s28+s3], $0x2800, $0x38;
	[tilespmem:$0x1B000] =	vst v63  }
0x33: {  	s29 =	smov.u32 s25;
	s28 =	smov.u32 s26  }
0x34: {  	p0 =	sne.s32 s25, $0x7400;
	s25 =	sadd.s32 $0x400, s25;
	_ =	swait.ge [sflag:s17], $0x2800  }
0x35: {  	s29 =	sshra.s32 s29, $0x2;
	[sflag:s17] =	ssyncset.done $0x0  }
0x36: {  	s30 =	sadd.s32 $0x14000, s29;
	[sflag:s17] =	ssyncadd.s32 $0xFFFFD800  }
0x37: {  	[spmem:s2] =	stream.indirect.scatter.add.f32 [tilespmem:s11], [sflag:$0x3], $0x80, s30, s18, $0xb8;
	[tilespmem:$0x1B000] =	vst v63  }
0x38: {  	_ =	swait.ge [sflag:s19], $0x2800  }
0x39: {  	[sflag:s19] =	ssyncset.done $0x0  }
0x3a: {  	s29 =	sadd.s32 $0x14080, s29;
	[sflag:s19] =	ssyncadd.s32 $0xFFFFD800  }
0x3b: {  	[spmem:s2] =	stream.indirect.scatter.add.f32 [tilespmem:s12], [sflag:$0x4], $0x80, s29, s18, $0xb8;
	[tilespmem:$0x1B000] =	vst v63  }
0x3c: {  	_ =	swait.ge [sflag:s20], $0x2800  }
0x3d: {  	[sflag:s20] =	ssyncset.done $0x0  }
.Ltmp0:
0x3e: {  	s29 =	sadd.s32 $0xFFFFFB00, s26;
	[sflag:s20] =	ssyncadd.s32 $0xFFFFD800;
	(pc) =	sbr.rel @p0 .LBB2_2-.Ltmp0, $4  }
0x3f: {  	[tilespmem:s11], [sflag:$0x1] =	stream.linear.gather [hbm4b:s29+s3], $0x2800, $0x38;
	[tilespmem:$0x1B000] =	vst v63  }
0x40: {  	_ =	swait.ge [sflag:s21], $0x2800  }
0x41: {  	[sflag:s21] =	ssyncset.done $0x0  }
0x42: {  	s26 =	sadd.s32 $0xA00, s26;
	[sflag:s21] =	ssyncadd.s32 $0xFFFFD800  }
0x43: {  	[tilespmem:s12], [sflag:$0x2] =	stream.linear.gather [hbm4b:s28+s3], $0x2800, $0x38;
	[tilespmem:$0x1B000] =	vst v63  }
0x44: {  	_ =	swait.ge [sflag:s17], $0x2800  }
0x45: {  	[sflag:s17] =	ssyncset.done $0x0  }
0x46: {  	[sflag:s17] =	ssyncadd.s32 $0xFFFFD800  }
0x47: {  	[spmem:s2] =	stream.indirect.scatter.add.f32 [tilespmem:s11], [sflag:$0x5], $0x80, s22, s18, $0xb8;
	[tilespmem:$0x1B000] =	vst v63  }
0x48: {  	_ =	swait.ge [sflag:s14], $0x2800  }
0x49: {  	[sflag:s14] =	ssyncset.done $0x0  }
0x4a: {  	[sflag:s14] =	ssyncadd.s32 $0xFFFFD800  }
0x4b: {  	_ =	swait.ge [sflag:s19], $0x2800  }
0x4c: {  	[sflag:s19] =	ssyncset.done $0x0  }
0x4d: {  	[sflag:s19] =	ssyncadd.s32 $0xFFFFD800  }
0x4e: {  	[spmem:s2] =	stream.indirect.scatter.add.f32 [tilespmem:s12], [sflag:$0x5], $0x80, s23, s18, $0xb8;
	[tilespmem:$0x1B000] =	vst v63  }
0x4f: {  	_ =	swait.ge [sflag:s14], $0x2800  }
0x50: {  	s24 =	sadd.s32 $0x1, s24;
	[sflag:s14] =	ssyncset.done $0x0  }
0x51: {  	p0 =	sne.s32 s24, s9;
	[sflag:s14] =	ssyncadd.s32 $0xFFFFD800  }
.Ltmp1:
0x52: {  	[bflag:$0x0] =	sbarrier.arrive $0xFFFF;
	(pc) =	sbr.rel @p0 .LBB2_1-.Ltmp1, $4  }
0x53: {  	[hbm:s8], [sflag:s15] =	dma.local [spmem:s16], $0x2800  }
0x54: {  	_ =	swait.ge [sflag:s14], $0x2800  }
0x55: {  	[sflag:s14] =	ssyncset.done $0x0  }
0x56: {  	[sflag:s14] =	ssyncadd.s32 $0xFFFFD800  }
0x57: {  	_ =	sfence.sel $0x180000  }
0x58: {  	[bflag:$0x0] =	sbarrier.arrive $0xFFFF  }
0x59: {  	p0 =	sne.s32 s1, $0x0;
	_ =	strace $0x9000004D  }
0x5a: {  	s0 =	sadd.s32 @!p0 $0x100000, s0;
	[bflag:$0x2] =	sbarrier.arrive $0xFFFF  }
0x5b: {  	[sflag:s0] =	ssyncadd.tile.s32 @!p0 $0x1;
	_ =	shalt  }
.Lfunc_end2:
_tile_overlayer_lowered:
.L_overlay_start_2:
0x5c: {  	(tag) =	ssettag $0x2  }
0x5d: {  	s0 =	rddreg [dreg:$0x0];
	s2 =	stileid.u32  }
0x5e: {  	s1 =	rddreg [dreg:$0x1];
	p0 =	sne.s32 s2, $0x0  }
0x5f: {  	s3 =	rddreg [dreg:$0x2];
	[bflag:$0x3] =	sbarrier.arrive $0xFFFF;
	s2 =	simm.s32 @!p0 $0x1C05  }
0x60: {  	[timem:s3], [sflag:s2] =	dma.local @!p0 [hbm:s0], s1  }
0x61: {  	s0 =	simm.s32 @!p0 $0x5  }
0x62: {  	_ =	swait.ge @!p0 [sflag:s0], s1  }
0x63: {  	s1 =	ssub.s32 @!p0 $0x0, s1;
	[sflag:s0] =	ssyncset.done @!p0 $0x0  }
0x64: {  	[sflag:s0] =	ssyncadd.s32 @!p0 s1  }
0x65: {  	[bflag:$0x3] =	sbarrier.arrive $0xFFFF  }
0x66: {  	_ =	shalt  }

// kernel: kernel.8.cloned.1.call-start
scs
__scs_entry_jumppad:
0x0: {  	(pc) =	sbr.rel $0x88, $3  }
0x1: {  	(tag) =	ssettag $0x0;
	lr =	simm.s32 $0x1  }
0x2: {  	[smem:$0x3F97] =	sst lr;
	_ =	strace $0xD0000000  }
0x3: {  	_ = 	snop  }
0x4: {  	_ = 	snop  }
0x5: {  	_ = 	snop  }
0x6: {  	_ = 	snop  }
0x7: {  	_ = 	snop  }
__scs_overlays_trampoline_lowered:
0x8: {  	[smem:$0x3FA6] =	sst s0  }
0x9: {  	[smem:$0x3FA7] =	sst s1  }
0xa: {  	[smem:$0x3FA8] =	sst s2  }
0xb: {  	[smem:$0x3FA9] =	sst s3  }
0xc: {  	[smem:$0x3FAA] =	sst s4  }
0xd: {  	[smem:$0x3FAB] =	sst s5  }
0xe: {  	[smem:$0x3FAC] =	sst s6  }
0xf: {  	[smem:$0x3FAD] =	sst s7  }
0x10: {  	[smem:$0x3FAE] =	sst s8  }
0x11: {  	[smem:$0x3FAF] =	sst s9;
	s0 =	simm.s32 @!p0 $0x0  }
0x12: {  	s1 =	sld [smem:$0x3F95];
	s0 =	simm.s32 @p0 $0x1  }
0x13: {  	[smem:$0x3FB0] =	sst s0;
	s0 =	simm.s32 @!p1 $0x0  }
0x14: {  	s2 =	sld [smem:$0x3F94];
	s0 =	simm.s32 @p1 $0x1  }
0x15: {  	[smem:$0x3FB1] =	sst s0;
	s0 =	simm.s32 @!p2 $0x0  }
0x16: {  	s3 =	sld [smem:$0x3FDB];
	s0 =	simm.s32 @p2 $0x1  }
0x17: {  	s4 =	simm.s32 $0x1BF5;
	[smem:$0x3FB3] =	sst s0  }
0x18: {  	s0 =	sld [smem:$0x3F96];
	_ =	swait.ge [sflag:s4], $0x0  }
0x19: {  	s7 =	sld [smem:$0x3F97]  }
0x1a: {  	s8 =	sadd.s32 $0xFFFFE003, lr  }
0x1b: {  	s9 =	sadd.s32 $0xFFFFFEF7, lr;
	s5 =	simm.s32 $0xFFFFFFFF;
	p2 =	slt.u32 s8, $0xFFFFF086  }
0x1c: {  	p1 =	slt.u32 s9, $0xF7A;
	s5 =	simm.s32 @!p2 $0x0  }
0x1d: {  	s5 =	simm.s32 @p1 $0x1;
	p0 =	seq.s32 s7, s2  }
0x1e: {  	s7 =	smul.u32 @!p0 $0xF7A, s2;
	p2 =	seq.s32 @!p0 s5, $0x0  }
0x1f: {  	s9 =	smul.u32 $0xF7A, s1;
	s8 =	simm.s32 @!p0 $0x1BF5;
	p2 =	por !p2, p0  }
0x20: {  	[sflag:s8] =	ssyncset.s32 @!p0 $0xFFFFF086;
	s6 =	sadd.s32 @!p0 s3, s7;
	s7 =	simm.s32 @!p0 $0x108  }
0x21: {  	s3 =	sadd.s32 s3, s9;
	s6 =	sadd.s32 @!p0 $0x88, s6;
	s7 =	simm.s32 @p2 $0x1082  }
0x22: {  	[simem:s7], [sflag:s8] =	dma.local @!p0 [hbm:s6], $0xF7A  }
0x23: {  	s9 =	sor.u32 $0xD0000000, s2;
	s6 =	simm.s32 $0x108;
	_ =	swait.ge @!p0 [sflag:s8], $0x0  }
0x24: {  	s3 =	sadd.s32 $0x88, s3;
	s6 =	simm.s32 @!p1 $0x1082;
	[sflag:s4] =	ssyncset.s32 $0xFFFFF086  }
0x25: {  	[simem:s6], [sflag:s4] =	dma.local [hbm:s3], $0xF7A  }
0x26: {  	[smem:$0x3F97] =	sst s1;
	(tag) =	ssettag s2;
	_ =	strace s9  }
0x27: {  	s1 =	sld [smem:$0x3FA7]  }
0x28: {  	s2 =	sld [smem:$0x3FA8]  }
0x29: {  	s4 =	sld [smem:$0x3FAA]  }
0x2a: {  	p0 =	seq.s32 s5, $0x0;
	s5 =	sld [smem:$0x3FAB]  }
0x2b: {  	s6 =	sld [smem:$0x3FAC]  }
0x2c: {  	s7 =	sld [smem:$0x3FAD]  }
0x2d: {  	s3 =	simm.s32 $0x108;
	s8 =	sld [smem:$0x3FAE]  }
0x2e: {  	s3 =	simm.s32 @!p0 $0x1082;
	s9 =	sld [smem:$0x3FAF]  }
0x2f: {  	lr =	sadd.s32 s0, s3;
	s0 =	sld [smem:$0x3FA6]  }
0x30: {  	s3 =	sld [smem:$0x3FA9]  }
0x31: {  	[smem:$0x3FB2] =	sst s10  }
0x32: {  	s10 =	sld [smem:$0x3FB0];
	_ =	sdelay $0x3  }
0x33: {  	p0 =	seq.s32 s10, $0x1;
	s10 =	sld [smem:$0x3FB2];
	_ =	sdelay $0x3  }
0x34: {  	[smem:$0x3FB2] =	sst s10  }
0x35: {  	s10 =	sld [smem:$0x3FB1];
	_ =	sdelay $0x3  }
0x36: {  	p1 =	seq.s32 s10, $0x1;
	s10 =	sld [smem:$0x3FB2];
	_ =	sdelay $0x3  }
0x37: {  	[smem:$0x3FB2] =	sst s10  }
0x38: {  	s10 =	sld [smem:$0x3FB3]  }
0x39: {  	_ = 	snop;
	(pc) =	sbr.ind lr, $3  }
0x3a: {  	_ = 	snop  }
0x3b: {  	_ = 	snop  }
0x3c: {  	p2 =	seq.s32 s10, $0x1;
	s10 =	sld [smem:$0x3FB2]  }
0x3d: {  	_ =	shalt  }
0x3e: {  	_ =	shalt  }
0x3f: {  	_ =	shalt  }
0x40: {  	_ =	shalt  }
0x41: {  	_ =	shalt  }
0x42: {  	_ =	shalt  }
0x43: {  	_ =	shalt  }
0x44: {  	_ =	shalt  }
0x45: {  	_ =	shalt  }
0x46: {  	_ =	shalt  }
0x47: {  	_ =	shalt  }
0x48: {  	_ =	shalt  }
0x49: {  	_ =	shalt  }
0x4a: {  	_ =	shalt  }
0x4b: {  	_ =	shalt  }
0x4c: {  	_ =	shalt  }
0x4d: {  	_ =	shalt  }
0x4e: {  	_ =	shalt  }
0x4f: {  	_ =	shalt  }
0x50: {  	_ =	shalt  }
0x51: {  	_ =	shalt  }
0x52: {  	_ =	shalt  }
0x53: {  	_ =	shalt  }
0x54: {  	_ =	shalt  }
0x55: {  	_ =	shalt  }
0x56: {  	_ =	shalt  }
0x57: {  	_ =	shalt  }
0x58: {  	_ =	shalt  }
0x59: {  	_ =	shalt  }
0x5a: {  	_ =	shalt  }
0x5b: {  	_ =	shalt  }
0x5c: {  	_ =	shalt  }
0x5d: {  	_ =	shalt  }
0x5e: {  	_ =	shalt  }
0x5f: {  	_ =	shalt  }
0x60: {  	_ =	shalt  }
0x61: {  	_ =	shalt  }
0x62: {  	_ =	shalt  }
0x63: {  	_ =	shalt  }
0x64: {  	_ =	shalt  }
0x65: {  	_ =	shalt  }
0x66: {  	_ =	shalt  }
0x67: {  	_ =	shalt  }
0x68: {  	_ =	shalt  }
0x69: {  	_ =	shalt  }
0x6a: {  	_ =	shalt  }
0x6b: {  	_ =	shalt  }
0x6c: {  	_ =	shalt  }
0x6d: {  	_ =	shalt  }
0x6e: {  	_ =	shalt  }
0x6f: {  	_ =	shalt  }
0x70: {  	_ =	shalt  }
0x71: {  	_ =	shalt  }
0x72: {  	_ =	shalt  }
0x73: {  	_ =	shalt  }
0x74: {  	_ =	shalt  }
0x75: {  	_ =	shalt  }
0x76: {  	_ =	shalt  }
0x77: {  	_ =	shalt  }
0x78: {  	_ =	shalt  }
0x79: {  	_ =	shalt  }
0x7a: {  	_ =	shalt  }
0x7b: {  	_ =	shalt  }
0x7c: {  	_ =	shalt  }
0x7d: {  	_ =	shalt  }
0x7e: {  	_ =	shalt  }
0x7f: {  	_ =	shalt  }
0x80: {  	_ =	shalt  }
0x81: {  	_ =	shalt  }
0x82: {  	_ =	shalt  }
0x83: {  	_ =	shalt  }
0x84: {  	_ =	shalt  }
0x85: {  	_ =	shalt  }
0x86: {  	_ =	shalt  }
0x87: {  	_ =	shalt  }
.Lfunc_end0:
.L_simem_size_0:
called_computation_lowered:
.L_overlay_start_0:
0x88: {  	s2 =	sld [smem:$0x3FD9]  }
0x89: {  	s3 =	sld [smem:$0x3FFE];
	_ =	sdelay $0x1  }
0x8a: {  	s1 =	srdreg.scid  }
0x8b: {  	s0 =	sand.u32 $0x1, s1  }
0x8c: {  	s17 =	sshll.u32 s0, $0xA;
	s2 =	sadd.s32 s3, s2  }
0x8d: {  	s2 =	sadd.s32 s2, s17  }
0x8e: {  	[smem:$0x3FBE] =	sst s2  }
0x8f: {  	_ = 	snop  }
0x90: {  	s2 =	sld [smem:$0x3FC9]  }
0x91: {  	s18 =	sld [smem:$0x3FD0];
	(tm) =	ssettm $0x1  }
0x92: {  	s4 =	sld [smem:$0x3FFB];
	_ =	sdelay $0x3  }
0x93: {  	_ =	strace s4  }
0x94: {  	s4 =	sld [smem:$0x3FFC];
	_ =	sdelay $0x3  }
0x95: {  	_ =	strace s4  }
0x96: {  	s4 =	sld [smem:$0x3FFD];
	_ =	sdelay $0x3  }
0x97: {  	_ =	strace s4  }
0x98: {  	_ =	strace $0x8FFFFFFF  }
0x99: {  	s19 =	sld [smem:$0x3FDB];
	_ =	sdelay $0x1  }
0x9a: {  	s5 =	simm.s32 $_scs_section_size  }
0x9b: {  	s6 =	simm.s32 $_size__tile_overlayer_lowered;
	s7 =	simm.s32 $_tile_overlayer_lowered  }
0x9c: {  	s22 =	simm.s32 $0x1BFF;
	s21 =	sshll.u32 s7, $0x1;
	s4 =	sadd.s32 s5, s19  }
0x9d: {  	s8 =	simm.s32 $0x0;
	s20 =	sshll.u32 s6, $0x1;
	s6 =	sadd.s32 s21, s4  }
0x9e: {  	[timem:s8], [sflag:s22] =	dma.local [hbm:s6], s20  }
0x9f: {  	_ =	swait.ge [sflag:s22], s20  }
0xa0: {  	s5 =	ssub.s32 $0x0, s20;
	[sflag:s22] =	ssyncset.done $0x0  }
0xa1: {  	[sflag:s22] =	ssyncadd.s32 s5;
	_ =	sdelay $0x1  }
0xa2: {  	s23 =	simm.s32 $0x1B8B  }
0xa3: {  	_ =	swait.ge [sflag:s23], $0x1  }
0xa4: {  	[sflag:s23] =	ssyncset.done $0x0  }
0xa5: {  	s25 =	simm.s32 $0x1B8E;
	s24 =	sld [smem:$0x3FFE];
	[sflag:s23] =	ssyncadd.s32 $0xFFFFFFFF  }
0xa6: {  	s26 =	simm.s32 $execute0_lowered;
	[smem:$0x3FD2] =	sst s25  }
0xa7: {  	s6 =	sshll.u32 s26, $0x1;
	_ =	strace $0x80000046;
	[dreg:$0x1] =	wrdreg $0xFFFFFFFF  }
0xa8: {  	s28 =	simm.s32 $_size_execute0_lowered;
	s4 =	sadd.s32 s4, s6;
	[dreg:$0x0] =	wrdreg $0x0  }
0xa9: {  	s6 =	sshll.u32 s28, $0x1;
	[dreg:$0x2] =	wrdreg s4  }
0xaa: {  	[dreg:$0x3] =	wrdreg s6  }
0xab: {  	[dreg:$0x4] =	wrdreg $0xC0  }
0xac: {  	_ =	task [dreg:s8], $0x5FFFF  }
0xad: {  	[dreg:$0x1] =	wrdreg $0xFFFFFFFF  }
0xae: {  	[dreg:$0x0] =	wrdreg $0x60  }
0xaf: {  	[dreg:$0x2] =	wrdreg s2  }
0xb0: {  	[dreg:$0x3] =	wrdreg s18  }
0xb1: {  	[dreg:$0x4] =	wrdreg s24  }
0xb2: {  	[dreg:$0x5] =	wrdreg $0x9  }
0xb3: {  	_ =	task.clear_ibuf [dreg:s8], $0x6FFFF;
	_ =	strace $0x90000046  }
0xb4: {  	s29 =	simm.s32 $0x9;
	_ =	strace $0x80000048  }
0xb5: {  	_ =	swait.ge [sflag:s29], $0x1  }
0xb6: {  	[sflag:s29] =	ssyncadd.s32 $0xFFFFFFFF  }
0xb7: {  	_ =	strace $0x90000048  }
0xb8: {  	_ =	sfence  }
0xb9: {  	s30 =	sld [smem:$0x0];
	_ =	sdelay $0x2  }
0xba: {  	s31 =	sshll.u32 s1, $0xD;
	s1 =	sshrl.u32 s1, $0x2  }
0xbb: {  	s3 =	sand.u32 $0x4000, s31;
	s1 =	sadd.s32 s1, s30  }
0xbc: {  	s0 =	sor.u32 s3, s0;
	s1 =	sshll.u32 s1, $0x11  }
0xbd: {  	s0 =	sor.u32 s1, s0  }
0xbe: {  	s0 =	sadd.s32 $0x8F2B, s0  }
0xbf: {  	[sflag:s0] =	ssyncadd.remote.s32 $0x1  }
0xc0: {  	_ =	sfence.sel $0xFFFF  }
0xc1: {  	[dreg:$0x0] =	wrdreg $0xFFFFFFFF;
	(pc) =	sbr.abs _section_cstart, $3  }
0xc2: {  	[dreg:$0x1] =	wrdreg $0xFFFFFFFF  }
0xc3: {  	_ =	task.clear_ibuf [dreg:s8], $0x2FFFF;
	_ =	strace $0x9FFFFFFF  }
0xc4: {  	(tm) =	ssettm $0x7FFFFFFF  }
0xc5: {  	_ =	shalt  }
tec
execute0_lowered:
.L_overlay_start_1:
0x0: {  	(tag) =	ssettag $0x1  }
0x1: {  	s1 =	rddreg [dreg:$0x0]  }
0x2: {  	s4 =	rddreg [dreg:$0x1]  }
0x3: {  	s5 =	rddreg [dreg:$0x2];
	s2 =	srdreg.scid  }
0x4: {  	s0 =	stileid.u32;
	s9 =	simm.s32 $0x400;
	s10 =	simm.s32 $0x2780  }
0x5: {  	s11 =	simm.s32 $0x4F00;
	s12 =	simm.s32 $0x0;
	s6 =	sand.u32 $0x1, s2  }
0x6: {  	s30 =	sshrl.u32 s0, $0x2;
	s3 =	sshll.u32 s0, $0x8;
	s2 =	rddreg [dreg:$0x3]  }
0x7: {  	s7 =	smul.u32 $0x13C00, s30;
	s8 =	sshll.u32 s6, $0x7;
	s3 =	sand.u32 $0x300, s3  }
0x8: {  	s6 =	ssub.s32 $0x2, s6;
	s8 =	sor.u32 s8, s3;
	s3 =	simm.s32 $0x0  }
0x9: {  	s31 =	sshrl.u32 s6, $0x1;
	s7 =	sor.u32 s7, s8;
	[smem:$0x7FF] =	sst s3  }
0xa: {  	s6 =	ssub.s32 s6, s31;
	s8 =	simm.s32 $0x80;
	s7 =	sshrl.u32 s7, $0x3  }
0xb: {  	_ =	strace $0x80000047;
	s6 =	smax.u32 s6, $0x1;
	s5 =	sadd.s32 s7, s5  }
0xc: {  	s4 =	sadd.s32 s4, s7;
	s7 =	simm.s32 $0x1;
	s5 =	sadd.s32 $0x1600, s5  }
.LBB2_1:
0xd: {  	[tilespmem:s3], [sflag:$0x1] =	stream.linear.gather [hbm4b:s1+s3], $0x2780, $0x38;
	[tilespmem:$0x7680] =	vst v63  }
0xe: {  	_ =	swait.ge [sflag:s7], $0x2780  }
0xf: {  	[sflag:s7] =	ssyncset.done $0x0  }
0x10: {  	[sflag:s7] =	ssyncadd.s32 $0xFFFFD880  }
0x11: {  	[tilespmem:s10], [sflag:$0x1] =	stream.strided.gather [hbm4b:s4+s8], $0x2780, s9, s8, $0x38;
	[tilespmem:$0x7680] =	vst v63  }
0x12: {  	_ =	swait.ge [sflag:s7], $0x2780  }
0x13: {  	[sflag:s7] =	ssyncset.done $0x0  }
0x14: {  	s13 =	simm.s32 $0x0;
	[sflag:s7] =	ssyncadd.s32 $0xFFFFD880  }
0x15: {  	v0 =	vld [tilespmem:s13+$0x2780];
	_ =	sdelay $0x7  }
0x16: {  	s14 =	simm.s32 $0x10;
	s15 =	simm.s32 $0x80;
	v0 =	vld.idx.msk [tilespmem:v0+s3+$0x0], $0xffff  }
.LBB2_2:
0x17: {  	p0 =	sne.s32 s15, $0x9C00;
	v1 =	vld [tilespmem:s14+$0x2780];
	_ =	sdelay $0x3  }
.Ltmp0:
0x18: {  	(pc) =	sbr.rel @p0 .LBB2_2-.Ltmp0, $2  }
0x19: {  	[tilespmem:s13+$0x4F00] =	vst v0;
	s13 =	smov.u32 s14;
	_ =	sdelay $0x2  }
0x1a: {  	s14 =	sshra.s32 s15, $0x2;
	s15 =	sadd.s32 $0x40, s15;
	v0 =	vld.idx.msk [tilespmem:v1+s3+$0x0], $0xffff  }
0x1b: {  	v1 =	vld [tilespmem:s14+$0x2780];
	_ =	sdelay $0x6  }
0x1c: {  	[tilespmem:s13+$0x4F00] =	vst v0  }
0x1d: {  	v0 =	vld.idx.msk [tilespmem:v1+s3+$0x0], $0xffff;
	_ =	sdelay $0x2  }
0x1e: {  	s12 =	sadd.s32 $0x1, s12  }
0x1f: {  	p0 =	sne.s32 s12, s6  }
.Ltmp1:
0x20: {  	[tilespmem:s14+$0x4F00] =	vst v0;
	(pc) =	sbr.rel @p0 .LBB2_1-.Ltmp1, $4  }
0x21: {  	[hbm4b:s5+s8] =	stream.strided.scatter [tilespmem:s11], [sflag:$0x1], $0x2780, s9, s8, $0x38;
	[tilespmem:$0x7680] =	vst v63  }
0x22: {  	_ =	swait.ge [sflag:s7], $0x2780  }
0x23: {  	[sflag:s7] =	ssyncset.done $0x0  }
0x24: {  	[sflag:s7] =	ssyncadd.s32 $0xFFFFD880  }
0x25: {  	_ =	sfence.sel $0x180000  }
0x26: {  	[bflag:$0x0] =	sbarrier.arrive $0xFFFF  }
0x27: {  	p0 =	sne.s32 s0, $0x0;
	_ =	strace $0x90000047  }
0x28: {  	s0 =	sadd.s32 @!p0 $0x100000, s2;
	[bflag:$0x2] =	sbarrier.arrive $0xFFFF  }
0x29: {  	[sflag:s0] =	ssyncadd.tile.s32 @!p0 $0x1;
	_ =	shalt  }
.Lfunc_end2:
_tile_overlayer_lowered:
.L_overlay_start_2:
0x2a: {  	(tag) =	ssettag $0x2  }
0x2b: {  	s0 =	rddreg [dreg:$0x0];
	s2 =	stileid.u32  }
0x2c: {  	s1 =	rddreg [dreg:$0x1];
	p0 =	sne.s32 s2, $0x0  }
0x2d: {  	s3 =	rddreg [dreg:$0x2];
	[bflag:$0x3] =	sbarrier.arrive $0xFFFF;
	s2 =	simm.s32 @!p0 $0x1C01  }
0x2e: {  	[timem:s3], [sflag:s2] =	dma.local @!p0 [hbm:s0], s1  }
0x2f: {  	s0 =	simm.s32 @!p0 $0x1  }
0x30: {  	_ =	swait.ge @!p0 [sflag:s0], s1  }
0x31: {  	s1 =	ssub.s32 @!p0 $0x0, s1;
	[sflag:s0] =	ssyncset.done @!p0 $0x0  }
0x32: {  	[sflag:s0] =	ssyncadd.s32 @!p0 s1  }
0x33: {  	[bflag:$0x3] =	sbarrier.arrive $0xFFFF  }
0x34: {  	_ =	shalt  }

</sc_bundles>
